<compile_context>
chip_gen: v7x
topology: tpu7x:2x2x1
jax: 0.10.2.dev20260603
libtpu: 0.0.44.dev20260713+nightly
codegen_flags: <defaults>
</compile_context>

<pallas_src>
import functools
import jax
import jax.numpy as jnp
from jax import lax
from jax.experimental import pallas as pl
from jax.experimental.pallas import tpu as pltpu, tpu_sc as plsc

EMBED_DIM = 2048
NUM_EXPERTS = 16
N_TOKENS = 16384
BLK = 2048

NC, NS, L = 2, 16, 16
NW = NC * NS
CHUNK = N_TOKENS // NW


NBUF = 4
CH = 512


def _make_logits_body(tok0, ntok):
    nst = ntok // CH

    def _logits_body(x_hbm, w_ref, b_ref, lt_ref, xbuf, sems):
        w = w_ref[...]
        b2 = b_ref[...]
        HC = CH // 2

        def start(i, slot):
            pltpu.make_async_copy(
                x_hbm.at[pl.ds(tok0 + i * CH, HC)],
                xbuf.at[slot, pl.ds(0, HC)], sems.at[slot, 0]).start()
            pltpu.make_async_copy(
                x_hbm.at[pl.ds(tok0 + i * CH + HC, HC)],
                xbuf.at[slot, pl.ds(HC, HC)], sems.at[slot, 1]).start()

        def wait(i, slot):
            pltpu.make_async_copy(
                x_hbm.at[pl.ds(tok0 + i * CH, HC)],
                xbuf.at[slot, pl.ds(0, HC)], sems.at[slot, 0]).wait()
            pltpu.make_async_copy(
                x_hbm.at[pl.ds(tok0 + i * CH + HC, HC)],
                xbuf.at[slot, pl.ds(HC, HC)], sems.at[slot, 1]).wait()

        for i in range(NBUF):
            start(i, i)

        def step(i, _):
            slot = lax.rem(i, NBUF)
            wait(i, slot)
            part = jax.lax.dot_general(
                w, xbuf[slot], (((1,), (1,)), ((), ())),
                preferred_element_type=jnp.float32)
            lt_ref[:, pl.ds(i * CH, CH)] = part + b2

            @pl.when(i + NBUF < nst)
            def _():
                start(i + NBUF, slot)

            return 0

        lax.fori_loop(0, nst, step, 0)

    return _logits_body


def _logits_t(x, W, b, tok0, ntok):
    return pl.pallas_call(
        _make_logits_body(tok0, ntok),
        in_specs=[
            pl.BlockSpec(memory_space=pl.ANY),
            pl.BlockSpec((NUM_EXPERTS, EMBED_DIM), lambda: (0, 0)),
            pl.BlockSpec((NUM_EXPERTS, 1), lambda: (0, 0)),
        ],
        out_specs=pl.BlockSpec((NUM_EXPERTS, ntok), lambda: (0, 0)),
        out_shape=jax.ShapeDtypeStruct((NUM_EXPERTS, ntok), jnp.float32),
        scratch_shapes=[
            pltpu.VMEM((NBUF, CH, EMBED_DIM), jnp.float32),
            pltpu.SemaphoreType.DMA((NBUF, 2)),
        ],
    )(x, W, b.reshape(NUM_EXPERTS, 1))


def _make_router(chunk):
    def _router(lt_hbm, gates_hbm, idx_hbm, lv, gv, iv):
        wid = lax.axis_index("s") * NC + lax.axis_index("c")
        base = wid * chunk
        pltpu.sync_copy(lt_hbm.at[:, pl.ds(base, chunk)], lv)

        def group(g, _):
            off = g * L
            m1 = lv[0, pl.ds(off, L)]
            i1 = jnp.zeros((L,), jnp.int32)
            m2 = jnp.full((L,), -jnp.inf, jnp.float32)
            i2 = jnp.zeros((L,), jnp.int32)
            for e in range(1, NUM_EXPERTS):
                v = lv[e, pl.ds(off, L)]
                ev = jnp.full((L,), e, jnp.int32)
                gt1 = v > m1
                gt2 = v > m2
                m2 = jnp.where(gt1, m1, jnp.where(gt2, v, m2))
                i2 = jnp.where(gt1, i1, jnp.where(gt2, ev, i2))
                m1 = jnp.where(gt1, v, m1)
                i1 = jnp.where(gt1, ev, i1)
            e2 = jnp.exp(m2 - m1)
            den = 1.0 + e2
            gv[0, pl.ds(off, L)] = 1.0 / den
            gv[1, pl.ds(off, L)] = e2 / den
            iv[0, pl.ds(off, L)] = i1
            iv[1, pl.ds(off, L)] = i2
            return 0

        lax.fori_loop(0, chunk // L, group, 0)
        pltpu.sync_copy(gv, gates_hbm.at[:, pl.ds(base, chunk)])
        pltpu.sync_copy(iv, idx_hbm.at[:, pl.ds(base, chunk)])

    return _router


def _route(lt):
    ntok = lt.shape[1]
    chunk = ntok // NW
    mesh = plsc.VectorSubcoreMesh(core_axis_name="c", subcore_axis_name="s")
    f = functools.partial(
        pl.kernel, mesh=mesh,
        out_type=[
            jax.ShapeDtypeStruct((2, ntok), jnp.float32),
            jax.ShapeDtypeStruct((2, ntok), jnp.int32),
        ],
        scratch_types=[
            pltpu.VMEM((NUM_EXPERTS, chunk), jnp.float32),
            pltpu.VMEM((2, chunk), jnp.float32),
            pltpu.VMEM((2, chunk), jnp.int32),
        ],
    )(_make_router(chunk))
    return f(lt)


NCHUNKS = 2
TOKC = N_TOKENS // NCHUNKS


def kernel(x, W, b):
    parts = []
    for c in range(NCHUNKS):
        lt = _logits_t(x, W, b, c * TOKC, TOKC)
        parts.append(_route(lt))
    gates_t = jnp.concatenate([p[0] for p in parts], axis=1)
    idx_t = jnp.concatenate([p[1] for p in parts], axis=1)
    return (gates_t.T, idx_t.T)

# --- scband reference (transcript-rebuilt; emitter-appended) ---
"""Pipeline reference for scband-top-kgate-37349035606099 (READ-ONLY COPY).

The authoritative reference and input builder live on the scoring server;
editing this copy changes nothing except your own understanding.
"""

import jax, jax.numpy as jnp
import numpy as np

EMBED_DIM = 2048
NUM_EXPERTS = 16
TOP_K = 2
N_TOKENS = 16384


def setup_inputs(seed: int = 0) -> dict:
    key = jax.random.key(seed)
    kx, kw, kb = jax.random.split(key, 3)
    x = jax.random.normal(kx, (N_TOKENS, EMBED_DIM), dtype=jnp.float32)
    # nn.Linear(embed_dim, num_experts): weight (num_experts, embed_dim), bias (num_experts,)
    bound = 1.0 / np.sqrt(EMBED_DIM)
    W = jax.random.uniform(kw, (NUM_EXPERTS, EMBED_DIM), dtype=jnp.float32, minval=-bound, maxval=bound)
    b = jax.random.uniform(kb, (NUM_EXPERTS,), dtype=jnp.float32, minval=-bound, maxval=bound)
    return {"x": x, "W": W, "b": b}


def reference(x, W, b):
    # logits = self.linear(x)
    logits = x @ W.T + b
    # topk_logits, topk_indices = torch.topk(logits, top_k, dim=-1)
    topk_logits, topk_indices = jax.lax.top_k(logits, TOP_K)
    # gates = F.softmax(topk_logits, dim=-1)
    gates = jax.nn.softmax(topk_logits, axis=-1)
    return (gates, topk_indices)

if __name__ == "__main__":
    import jax
    _d = setup_inputs()
    print(jax.jit(kernel)(*tuple(_d.values())))

</pallas_src>

<mosaic_0001>
#map = affine_map<(d0, d1) -> (0, 0)>
module attributes {stable_mosaic.version = 14 : i64} {
  func.func @_router(%arg0: i32, %arg1: i32, %arg2: memref<16x8192xf32, #tpu.memory_space<hbm>>, %arg3: memref<2x8192xf32, #tpu.memory_space<hbm>>, %arg4: memref<2x8192xi32, #tpu.memory_space<hbm>>, %arg5: memref<16x256xf32, #tpu.memory_space<vmem>>, %arg6: memref<2x256xf32, #tpu.memory_space<vmem>>, %arg7: memref<2x256xi32, #tpu.memory_space<vmem>>) attributes {dimension_semantics = [#tpu.dimension_semantics<core_parallel>, #tpu.dimension_semantics<subcore_parallel>], iteration_bounds = array<i64: 2, 16>, scalar_prefetch = 0 : i64, scratch_operands = 3 : i64, tpu.core_type = #tpu.core_type<sc_vector_subcore>, window_params = [{transform_indices = #map}, {transform_indices = #map}, {transform_indices = #map}]} {
    %mul3A = arith.constant 2 : i32
    %mul3A_0 = arith.muli %arg1, %mul3A : i32
    %add3A = arith.addi %mul3A_0, %arg0 : i32
    %mul3A_1 = arith.constant 256 : i32
    %mul3A_2 = arith.muli %add3A, %mul3A_1 : i32
    "tpu.region"() ({
      %run_scoped3A = tpu.sem_alloc : memref<!tpu.dma_semaphore, #tpu.memory_space<semaphore_mem>>
      %dma_start3A = arith.constant 0 : i32
      %dma_start3A_9 = tpu.memref_slice %arg2[%dma_start3A, %mul3A_2] : memref<16x8192xf32, #tpu.memory_space<hbm>> -> memref<16x256xf32, #tpu.memory_space<hbm>>
      %dma_start3A_10 = arith.constant 0 : i32
      %dma_start3A_11 = tpu.memref_slice %arg2[%dma_start3A_10, %mul3A_2] : memref<16x8192xf32, #tpu.memory_space<hbm>> -> memref<16x256xf32, #tpu.memory_space<hbm>>
      tpu.enqueue_dma source(%dma_start3A_11 : memref<16x256xf32, #tpu.memory_space<hbm>>) target(%arg5 : memref<16x256xf32, #tpu.memory_space<vmem>>) target_semaphore(%run_scoped3A : memref<!tpu.dma_semaphore, #tpu.memory_space<semaphore_mem>>)
      %dma_wait3A = arith.constant 0 : i32
      %dma_wait3A_12 = tpu.memref_slice %arg2[%dma_wait3A, %mul3A_2] : memref<16x8192xf32, #tpu.memory_space<hbm>> -> memref<16x256xf32, #tpu.memory_space<hbm>>
      %dma_wait3A_13 = arith.constant 0 : i32
      %dma_wait3A_14 = tpu.memref_slice %arg2[%dma_wait3A_13, %mul3A_2] : memref<16x8192xf32, #tpu.memory_space<hbm>> -> memref<16x256xf32, #tpu.memory_space<hbm>>
      tpu.wait_dma2 semaphore(%run_scoped3A : memref<!tpu.dma_semaphore, #tpu.memory_space<semaphore_mem>>) src(%dma_wait3A_14 : memref<16x256xf32, #tpu.memory_space<hbm>>) dst(%arg5 : memref<16x256xf32, #tpu.memory_space<vmem>>)
      tpu.yield
    }) : () -> ()
    %scan3A = arith.constant 0 : i32
    %scan3A_3 = arith.constant 0 : i32
    %scan3A_4 = arith.constant 16 : i32
    %scan3A_5 = arith.addi %scan3A_3, %scan3A_4 : i32
    %scan3A_6 = arith.constant 1 : i32
    %scan3A_7 = scf.for %scan3A_9 = %scan3A_3 to %scan3A_5 step %scan3A_6 iter_args(%scan3A_10 = %scan3A) -> (i32)  : i32 {
      %mul3A_11 = arith.constant 16 : i32
      %mul3A_12 = arith.muli %scan3A_9, %mul3A_11 : i32
      %get3A = arith.constant 0 : i32
      %get3A_13 = arith.index_cast %get3A : i32 to index
      %get3A_14 = arith.index_cast %mul3A_12 : i32 to index
      %get3A_15 = tpu.vector_load %arg5[%get3A_13, %get3A_14] {strides = array<i32>} : memref<16x256xf32, #tpu.memory_space<vmem>>, vector<1x16xf32>,
      %get3A_16 = vector.shape_cast %get3A_15 : vector<1x16xf32> to vector<16xf32>
      %broadcast_in_dim3A = arith.constant 0 : i32
      %broadcast_in_dim3A_17 = vector.broadcast %broadcast_in_dim3A : i32 to vector<16xi32>
      %broadcast_in_dim3A_18 = arith.constant 0xFF800000 : f32
      %broadcast_in_dim3A_19 = vector.broadcast %broadcast_in_dim3A_18 : f32 to vector<16xf32>
      %broadcast_in_dim3A_20 = arith.constant 0 : i32
      %broadcast_in_dim3A_21 = vector.broadcast %broadcast_in_dim3A_20 : i32 to vector<16xi32>
      %get3A_22 = arith.constant 1 : i32
      %get3A_23 = arith.index_cast %get3A_22 : i32 to index
      %get3A_24 = arith.index_cast %mul3A_12 : i32 to index
      %get3A_25 = tpu.vector_load %arg5[%get3A_23, %get3A_24] {strides = array<i32>} : memref<16x256xf32, #tpu.memory_space<vmem>>, vector<1x16xf32>,
      %get3A_26 = vector.shape_cast %get3A_25 : vector<1x16xf32> to vector<16xf32>
      %broadcast_in_dim3A_27 = arith.constant 1 : i32
      %broadcast_in_dim3A_28 = vector.broadcast %broadcast_in_dim3A_27 : i32 to vector<16xi32>
      %gt3A = arith.cmpf ogt, %get3A_26, %get3A_16 : vector<16xf32>
      %gt3A_29 = arith.cmpf ogt, %get3A_26, %broadcast_in_dim3A_19 : vector<16xf32>
      %select_n3A = arith.select %gt3A_29, %get3A_26, %broadcast_in_dim3A_19 : vector<16xi1>, vector<16xf32>
      %select_n3A_30 = arith.select %gt3A, %get3A_16, %select_n3A : vector<16xi1>, vector<16xf32>
      %select_n3A_31 = arith.select %gt3A_29, %broadcast_in_dim3A_28, %broadcast_in_dim3A_21 : vector<16xi1>, vector<16xi32>
      %select_n3A_32 = arith.select %gt3A, %broadcast_in_dim3A_17, %select_n3A_31 : vector<16xi1>, vector<16xi32>
      %select_n3A_33 = arith.select %gt3A, %get3A_26, %get3A_16 : vector<16xi1>, vector<16xf32>
      %select_n3A_34 = arith.select %gt3A, %broadcast_in_dim3A_28, %broadcast_in_dim3A_17 : vector<16xi1>, vector<16xi32>
      %get3A_35 = arith.constant 2 : i32
      %get3A_36 = arith.index_cast %get3A_35 : i32 to index
      %get3A_37 = arith.index_cast %mul3A_12 : i32 to index
      %get3A_38 = tpu.vector_load %arg5[%get3A_36, %get3A_37] {strides = array<i32>} : memref<16x256xf32, #tpu.memory_space<vmem>>, vector<1x16xf32>,
      %get3A_39 = vector.shape_cast %get3A_38 : vector<1x16xf32> to vector<16xf32>
      %broadcast_in_dim3A_40 = arith.constant 2 : i32
      %broadcast_in_dim3A_41 = vector.broadcast %broadcast_in_dim3A_40 : i32 to vector<16xi32>
      %gt3A_42 = arith.cmpf ogt, %get3A_39, %select_n3A_33 : vector<16xf32>
      %gt3A_43 = arith.cmpf ogt, %get3A_39, %select_n3A_30 : vector<16xf32>
      %select_n3A_44 = arith.select %gt3A_43, %get3A_39, %select_n3A_30 : vector<16xi1>, vector<16xf32>
      %select_n3A_45 = arith.select %gt3A_42, %select_n3A_33, %select_n3A_44 : vector<16xi1>, vector<16xf32>
      %select_n3A_46 = arith.select %gt3A_43, %broadcast_in_dim3A_41, %select_n3A_32 : vector<16xi1>, vector<16xi32>
      %select_n3A_47 = arith.select %gt3A_42, %select_n3A_34, %select_n3A_46 : vector<16xi1>, vector<16xi32>
      %select_n3A_48 = arith.select %gt3A_42, %get3A_39, %select_n3A_33 : vector<16xi1>, vector<16xf32>
      %select_n3A_49 = arith.select %gt3A_42, %broadcast_in_dim3A_41, %select_n3A_34 : vector<16xi1>, vector<16xi32>
      %get3A_50 = arith.constant 3 : i32
      %get3A_51 = arith.index_cast %get3A_50 : i32 to index
      %get3A_52 = arith.index_cast %mul3A_12 : i32 to index
      %get3A_53 = tpu.vector_load %arg5[%get3A_51, %get3A_52] {strides = array<i32>} : memref<16x256xf32, #tpu.memory_space<vmem>>, vector<1x16xf32>,
      %get3A_54 = vector.shape_cast %get3A_53 : vector<1x16xf32> to vector<16xf32>
      %broadcast_in_dim3A_55 = arith.constant 3 : i32
      %broadcast_in_dim3A_56 = vector.broadcast %broadcast_in_dim3A_55 : i32 to vector<16xi32>
      %gt3A_57 = arith.cmpf ogt, %get3A_54, %select_n3A_48 : vector<16xf32>
      %gt3A_58 = arith.cmpf ogt, %get3A_54, %select_n3A_45 : vector<16xf32>
      %select_n3A_59 = arith.select %gt3A_58, %get3A_54, %select_n3A_45 : vector<16xi1>, vector<16xf32>
      %select_n3A_60 = arith.select %gt3A_57, %select_n3A_48, %select_n3A_59 : vector<16xi1>, vector<16xf32>
      %select_n3A_61 = arith.select %gt3A_58, %broadcast_in_dim3A_56, %select_n3A_47 : vector<16xi1>, vector<16xi32>
      %select_n3A_62 = arith.select %gt3A_57, %select_n3A_49, %select_n3A_61 : vector<16xi1>, vector<16xi32>
      %select_n3A_63 = arith.select %gt3A_57, %get3A_54, %select_n3A_48 : vector<16xi1>, vector<16xf32>
      %select_n3A_64 = arith.select %gt3A_57, %broadcast_in_dim3A_56, %select_n3A_49 : vector<16xi1>, vector<16xi32>
      %get3A_65 = arith.constant 4 : i32
      %get3A_66 = arith.index_cast %get3A_65 : i32 to index
      %get3A_67 = arith.index_cast %mul3A_12 : i32 to index
      %get3A_68 = tpu.vector_load %arg5[%get3A_66, %get3A_67] {strides = array<i32>} : memref<16x256xf32, #tpu.memory_space<vmem>>, vector<1x16xf32>,
      %get3A_69 = vector.shape_cast %get3A_68 : vector<1x16xf32> to vector<16xf32>
      %broadcast_in_dim3A_70 = arith.constant 4 : i32
      %broadcast_in_dim3A_71 = vector.broadcast %broadcast_in_dim3A_70 : i32 to vector<16xi32>
      %gt3A_72 = arith.cmpf ogt, %get3A_69, %select_n3A_63 : vector<16xf32>
      %gt3A_73 = arith.cmpf ogt, %get3A_69, %select_n3A_60 : vector<16xf32>
      %select_n3A_74 = arith.select %gt3A_73, %get3A_69, %select_n3A_60 : vector<16xi1>, vector<16xf32>
      %select_n3A_75 = arith.select %gt3A_72, %select_n3A_63, %select_n3A_74 : vector<16xi1>, vector<16xf32>
      %select_n3A_76 = arith.select %gt3A_73, %broadcast_in_dim3A_71, %select_n3A_62 : vector<16xi1>, vector<16xi32>
      %select_n3A_77 = arith.select %gt3A_72, %select_n3A_64, %select_n3A_76 : vector<16xi1>, vector<16xi32>
      %select_n3A_78 = arith.select %gt3A_72, %get3A_69, %select_n3A_63 : vector<16xi1>, vector<16xf32>
      %select_n3A_79 = arith.select %gt3A_72, %broadcast_in_dim3A_71, %select_n3A_64 : vector<16xi1>, vector<16xi32>
      %get3A_80 = arith.constant 5 : i32
      %get3A_81 = arith.index_cast %get3A_80 : i32 to index
      %get3A_82 = arith.index_cast %mul3A_12 : i32 to index
      %get3A_83 = tpu.vector_load %arg5[%get3A_81, %get3A_82] {strides = array<i32>} : memref<16x256xf32, #tpu.memory_space<vmem>>, vector<1x16xf32>,
      %get3A_84 = vector.shape_cast %get3A_83 : vector<1x16xf32> to vector<16xf32>
      %broadcast_in_dim3A_85 = arith.constant 5 : i32
      %broadcast_in_dim3A_86 = vector.broadcast %broadcast_in_dim3A_85 : i32 to vector<16xi32>
      %gt3A_87 = arith.cmpf ogt, %get3A_84, %select_n3A_78 : vector<16xf32>
      %gt3A_88 = arith.cmpf ogt, %get3A_84, %select_n3A_75 : vector<16xf32>
      %select_n3A_89 = arith.select %gt3A_88, %get3A_84, %select_n3A_75 : vector<16xi1>, vector<16xf32>
      %select_n3A_90 = arith.select %gt3A_87, %select_n3A_78, %select_n3A_89 : vector<16xi1>, vector<16xf32>
      %select_n3A_91 = arith.select %gt3A_88, %broadcast_in_dim3A_86, %select_n3A_77 : vector<16xi1>, vector<16xi32>
      %select_n3A_92 = arith.select %gt3A_87, %select_n3A_79, %select_n3A_91 : vector<16xi1>, vector<16xi32>
      %select_n3A_93 = arith.select %gt3A_87, %get3A_84, %select_n3A_78 : vector<16xi1>, vector<16xf32>
      %select_n3A_94 = arith.select %gt3A_87, %broadcast_in_dim3A_86, %select_n3A_79 : vector<16xi1>, vector<16xi32>
      %get3A_95 = arith.constant 6 : i32
      %get3A_96 = arith.index_cast %get3A_95 : i32 to index
      %get3A_97 = arith.index_cast %mul3A_12 : i32 to index
      %get3A_98 = tpu.vector_load %arg5[%get3A_96, %get3A_97] {strides = array<i32>} : memref<16x256xf32, #tpu.memory_space<vmem>>, vector<1x16xf32>,
      %get3A_99 = vector.shape_cast %get3A_98 : vector<1x16xf32> to vector<16xf32>
      %broadcast_in_dim3A_100 = arith.constant 6 : i32
      %broadcast_in_dim3A_101 = vector.broadcast %broadcast_in_dim3A_100 : i32 to vector<16xi32>
      %gt3A_102 = arith.cmpf ogt, %get3A_99, %select_n3A_93 : vector<16xf32>
      %gt3A_103 = arith.cmpf ogt, %get3A_99, %select_n3A_90 : vector<16xf32>
      %select_n3A_104 = arith.select %gt3A_103, %get3A_99, %select_n3A_90 : vector<16xi1>, vector<16xf32>
      %select_n3A_105 = arith.select %gt3A_102, %select_n3A_93, %select_n3A_104 : vector<16xi1>, vector<16xf32>
      %select_n3A_106 = arith.select %gt3A_103, %broadcast_in_dim3A_101, %select_n3A_92 : vector<16xi1>, vector<16xi32>
      %select_n3A_107 = arith.select %gt3A_102, %select_n3A_94, %select_n3A_106 : vector<16xi1>, vector<16xi32>
      %select_n3A_108 = arith.select %gt3A_102, %get3A_99, %select_n3A_93 : vector<16xi1>, vector<16xf32>
      %select_n3A_109 = arith.select %gt3A_102, %broadcast_in_dim3A_101, %select_n3A_94 : vector<16xi1>, vector<16xi32>
      %get3A_110 = arith.constant 7 : i32
      %get3A_111 = arith.index_cast %get3A_110 : i32 to index
      %get3A_112 = arith.index_cast %mul3A_12 : i32 to index
      %get3A_113 = tpu.vector_load %arg5[%get3A_111, %get3A_112] {strides = array<i32>} : memref<16x256xf32, #tpu.memory_space<vmem>>, vector<1x16xf32>,
      %get3A_114 = vector.shape_cast %get3A_113 : vector<1x16xf32> to vector<16xf32>
      %broadcast_in_dim3A_115 = arith.constant 7 : i32
      %broadcast_in_dim3A_116 = vector.broadcast %broadcast_in_dim3A_115 : i32 to vector<16xi32>
      %gt3A_117 = arith.cmpf ogt, %get3A_114, %select_n3A_108 : vector<16xf32>
      %gt3A_118 = arith.cmpf ogt, %get3A_114, %select_n3A_105 : vector<16xf32>
      %select_n3A_119 = arith.select %gt3A_118, %get3A_114, %select_n3A_105 : vector<16xi1>, vector<16xf32>
      %select_n3A_120 = arith.select %gt3A_117, %select_n3A_108, %select_n3A_119 : vector<16xi1>, vector<16xf32>
      %select_n3A_121 = arith.select %gt3A_118, %broadcast_in_dim3A_116, %select_n3A_107 : vector<16xi1>, vector<16xi32>
      %select_n3A_122 = arith.select %gt3A_117, %select_n3A_109, %select_n3A_121 : vector<16xi1>, vector<16xi32>
      %select_n3A_123 = arith.select %gt3A_117, %get3A_114, %select_n3A_108 : vector<16xi1>, vector<16xf32>
      %select_n3A_124 = arith.select %gt3A_117, %broadcast_in_dim3A_116, %select_n3A_109 : vector<16xi1>, vector<16xi32>
      %get3A_125 = arith.constant 8 : i32
      %get3A_126 = arith.index_cast %get3A_125 : i32 to index
      %get3A_127 = arith.index_cast %mul3A_12 : i32 to index
      %get3A_128 = tpu.vector_load %arg5[%get3A_126, %get3A_127] {strides = array<i32>} : memref<16x256xf32, #tpu.memory_space<vmem>>, vector<1x16xf32>,
      %get3A_129 = vector.shape_cast %get3A_128 : vector<1x16xf32> to vector<16xf32>
      %broadcast_in_dim3A_130 = arith.constant 8 : i32
      %broadcast_in_dim3A_131 = vector.broadcast %broadcast_in_dim3A_130 : i32 to vector<16xi32>
      %gt3A_132 = arith.cmpf ogt, %get3A_129, %select_n3A_123 : vector<16xf32>
      %gt3A_133 = arith.cmpf ogt, %get3A_129, %select_n3A_120 : vector<16xf32>
      %select_n3A_134 = arith.select %gt3A_133, %get3A_129, %select_n3A_120 : vector<16xi1>, vector<16xf32>
      %select_n3A_135 = arith.select %gt3A_132, %select_n3A_123, %select_n3A_134 : vector<16xi1>, vector<16xf32>
      %select_n3A_136 = arith.select %gt3A_133, %broadcast_in_dim3A_131, %select_n3A_122 : vector<16xi1>, vector<16xi32>
      %select_n3A_137 = arith.select %gt3A_132, %select_n3A_124, %select_n3A_136 : vector<16xi1>, vector<16xi32>
      %select_n3A_138 = arith.select %gt3A_132, %get3A_129, %select_n3A_123 : vector<16xi1>, vector<16xf32>
      %select_n3A_139 = arith.select %gt3A_132, %broadcast_in_dim3A_131, %select_n3A_124 : vector<16xi1>, vector<16xi32>
      %get3A_140 = arith.constant 9 : i32
      %get3A_141 = arith.index_cast %get3A_140 : i32 to index
      %get3A_142 = arith.index_cast %mul3A_12 : i32 to index
      %get3A_143 = tpu.vector_load %arg5[%get3A_141, %get3A_142] {strides = array<i32>} : memref<16x256xf32, #tpu.memory_space<vmem>>, vector<1x16xf32>,
      %get3A_144 = vector.shape_cast %get3A_143 : vector<1x16xf32> to vector<16xf32>
      %broadcast_in_dim3A_145 = arith.constant 9 : i32
      %broadcast_in_dim3A_146 = vector.broadcast %broadcast_in_dim3A_145 : i32 to vector<16xi32>
      %gt3A_147 = arith.cmpf ogt, %get3A_144, %select_n3A_138 : vector<16xf32>
      %gt3A_148 = arith.cmpf ogt, %get3A_144, %select_n3A_135 : vector<16xf32>
      %select_n3A_149 = arith.select %gt3A_148, %get3A_144, %select_n3A_135 : vector<16xi1>, vector<16xf32>
      %select_n3A_150 = arith.select %gt3A_147, %select_n3A_138, %select_n3A_149 : vector<16xi1>, vector<16xf32>
      %select_n3A_151 = arith.select %gt3A_148, %broadcast_in_dim3A_146, %select_n3A_137 : vector<16xi1>, vector<16xi32>
      %select_n3A_152 = arith.select %gt3A_147, %select_n3A_139, %select_n3A_151 : vector<16xi1>, vector<16xi32>
      %select_n3A_153 = arith.select %gt3A_147, %get3A_144, %select_n3A_138 : vector<16xi1>, vector<16xf32>
      %select_n3A_154 = arith.select %gt3A_147, %broadcast_in_dim3A_146, %select_n3A_139 : vector<16xi1>, vector<16xi32>
      %get3A_155 = arith.constant 10 : i32
      %get3A_156 = arith.index_cast %get3A_155 : i32 to index
      %get3A_157 = arith.index_cast %mul3A_12 : i32 to index
      %get3A_158 = tpu.vector_load %arg5[%get3A_156, %get3A_157] {strides = array<i32>} : memref<16x256xf32, #tpu.memory_space<vmem>>, vector<1x16xf32>,
      %get3A_159 = vector.shape_cast %get3A_158 : vector<1x16xf32> to vector<16xf32>
      %broadcast_in_dim3A_160 = arith.constant 10 : i32
      %broadcast_in_dim3A_161 = vector.broadcast %broadcast_in_dim3A_160 : i32 to vector<16xi32>
      %gt3A_162 = arith.cmpf ogt, %get3A_159, %select_n3A_153 : vector<16xf32>
      %gt3A_163 = arith.cmpf ogt, %get3A_159, %select_n3A_150 : vector<16xf32>
      %select_n3A_164 = arith.select %gt3A_163, %get3A_159, %select_n3A_150 : vector<16xi1>, vector<16xf32>
      %select_n3A_165 = arith.select %gt3A_162, %select_n3A_153, %select_n3A_164 : vector<16xi1>, vector<16xf32>
      %select_n3A_166 = arith.select %gt3A_163, %broadcast_in_dim3A_161, %select_n3A_152 : vector<16xi1>, vector<16xi32>
      %select_n3A_167 = arith.select %gt3A_162, %select_n3A_154, %select_n3A_166 : vector<16xi1>, vector<16xi32>
      %select_n3A_168 = arith.select %gt3A_162, %get3A_159, %select_n3A_153 : vector<16xi1>, vector<16xf32>
      %select_n3A_169 = arith.select %gt3A_162, %broadcast_in_dim3A_161, %select_n3A_154 : vector<16xi1>, vector<16xi32>
      %get3A_170 = arith.constant 11 : i32
      %get3A_171 = arith.index_cast %get3A_170 : i32 to index
      %get3A_172 = arith.index_cast %mul3A_12 : i32 to index
      %get3A_173 = tpu.vector_load %arg5[%get3A_171, %get3A_172] {strides = array<i32>} : memref<16x256xf32, #tpu.memory_space<vmem>>, vector<1x16xf32>,
      %get3A_174 = vector.shape_cast %get3A_173 : vector<1x16xf32> to vector<16xf32>
      %broadcast_in_dim3A_175 = arith.constant 11 : i32
      %broadcast_in_dim3A_176 = vector.broadcast %broadcast_in_dim3A_175 : i32 to vector<16xi32>
      %gt3A_177 = arith.cmpf ogt, %get3A_174, %select_n3A_168 : vector<16xf32>
      %gt3A_178 = arith.cmpf ogt, %get3A_174, %select_n3A_165 : vector<16xf32>
      %select_n3A_179 = arith.select %gt3A_178, %get3A_174, %select_n3A_165 : vector<16xi1>, vector<16xf32>
      %select_n3A_180 = arith.select %gt3A_177, %select_n3A_168, %select_n3A_179 : vector<16xi1>, vector<16xf32>
      %select_n3A_181 = arith.select %gt3A_178, %broadcast_in_dim3A_176, %select_n3A_167 : vector<16xi1>, vector<16xi32>
      %select_n3A_182 = arith.select %gt3A_177, %select_n3A_169, %select_n3A_181 : vector<16xi1>, vector<16xi32>
      %select_n3A_183 = arith.select %gt3A_177, %get3A_174, %select_n3A_168 : vector<16xi1>, vector<16xf32>
      %select_n3A_184 = arith.select %gt3A_177, %broadcast_in_dim3A_176, %select_n3A_169 : vector<16xi1>, vector<16xi32>
      %get3A_185 = arith.constant 12 : i32
      %get3A_186 = arith.index_cast %get3A_185 : i32 to index
      %get3A_187 = arith.index_cast %mul3A_12 : i32 to index
      %get3A_188 = tpu.vector_load %arg5[%get3A_186, %get3A_187] {strides = array<i32>} : memref<16x256xf32, #tpu.memory_space<vmem>>, vector<1x16xf32>,
      %get3A_189 = vector.shape_cast %get3A_188 : vector<1x16xf32> to vector<16xf32>
      %broadcast_in_dim3A_190 = arith.constant 12 : i32
      %broadcast_in_dim3A_191 = vector.broadcast %broadcast_in_dim3A_190 : i32 to vector<16xi32>
      %gt3A_192 = arith.cmpf ogt, %get3A_189, %select_n3A_183 : vector<16xf32>
      %gt3A_193 = arith.cmpf ogt, %get3A_189, %select_n3A_180 : vector<16xf32>
      %select_n3A_194 = arith.select %gt3A_193, %get3A_189, %select_n3A_180 : vector<16xi1>, vector<16xf32>
      %select_n3A_195 = arith.select %gt3A_192, %select_n3A_183, %select_n3A_194 : vector<16xi1>, vector<16xf32>
      %select_n3A_196 = arith.select %gt3A_193, %broadcast_in_dim3A_191, %select_n3A_182 : vector<16xi1>, vector<16xi32>
      %select_n3A_197 = arith.select %gt3A_192, %select_n3A_184, %select_n3A_196 : vector<16xi1>, vector<16xi32>
      %select_n3A_198 = arith.select %gt3A_192, %get3A_189, %select_n3A_183 : vector<16xi1>, vector<16xf32>
      %select_n3A_199 = arith.select %gt3A_192, %broadcast_in_dim3A_191, %select_n3A_184 : vector<16xi1>, vector<16xi32>
      %get3A_200 = arith.constant 13 : i32
      %get3A_201 = arith.index_cast %get3A_200 : i32 to index
      %get3A_202 = arith.index_cast %mul3A_12 : i32 to index
      %get3A_203 = tpu.vector_load %arg5[%get3A_201, %get3A_202] {strides = array<i32>} : memref<16x256xf32, #tpu.memory_space<vmem>>, vector<1x16xf32>,
      %get3A_204 = vector.shape_cast %get3A_203 : vector<1x16xf32> to vector<16xf32>
      %broadcast_in_dim3A_205 = arith.constant 13 : i32
      %broadcast_in_dim3A_206 = vector.broadcast %broadcast_in_dim3A_205 : i32 to vector<16xi32>
      %gt3A_207 = arith.cmpf ogt, %get3A_204, %select_n3A_198 : vector<16xf32>
      %gt3A_208 = arith.cmpf ogt, %get3A_204, %select_n3A_195 : vector<16xf32>
      %select_n3A_209 = arith.select %gt3A_208, %get3A_204, %select_n3A_195 : vector<16xi1>, vector<16xf32>
      %select_n3A_210 = arith.select %gt3A_207, %select_n3A_198, %select_n3A_209 : vector<16xi1>, vector<16xf32>
      %select_n3A_211 = arith.select %gt3A_208, %broadcast_in_dim3A_206, %select_n3A_197 : vector<16xi1>, vector<16xi32>
      %select_n3A_212 = arith.select %gt3A_207, %select_n3A_199, %select_n3A_211 : vector<16xi1>, vector<16xi32>
      %select_n3A_213 = arith.select %gt3A_207, %get3A_204, %select_n3A_198 : vector<16xi1>, vector<16xf32>
      %select_n3A_214 = arith.select %gt3A_207, %broadcast_in_dim3A_206, %select_n3A_199 : vector<16xi1>, vector<16xi32>
      %get3A_215 = arith.constant 14 : i32
      %get3A_216 = arith.index_cast %get3A_215 : i32 to index
      %get3A_217 = arith.index_cast %mul3A_12 : i32 to index
      %get3A_218 = tpu.vector_load %arg5[%get3A_216, %get3A_217] {strides = array<i32>} : memref<16x256xf32, #tpu.memory_space<vmem>>, vector<1x16xf32>,
      %get3A_219 = vector.shape_cast %get3A_218 : vector<1x16xf32> to vector<16xf32>
      %broadcast_in_dim3A_220 = arith.constant 14 : i32
      %broadcast_in_dim3A_221 = vector.broadcast %broadcast_in_dim3A_220 : i32 to vector<16xi32>
      %gt3A_222 = arith.cmpf ogt, %get3A_219, %select_n3A_213 : vector<16xf32>
      %gt3A_223 = arith.cmpf ogt, %get3A_219, %select_n3A_210 : vector<16xf32>
      %select_n3A_224 = arith.select %gt3A_223, %get3A_219, %select_n3A_210 : vector<16xi1>, vector<16xf32>
      %select_n3A_225 = arith.select %gt3A_222, %select_n3A_213, %select_n3A_224 : vector<16xi1>, vector<16xf32>
      %select_n3A_226 = arith.select %gt3A_223, %broadcast_in_dim3A_221, %select_n3A_212 : vector<16xi1>, vector<16xi32>
      %select_n3A_227 = arith.select %gt3A_222, %select_n3A_214, %select_n3A_226 : vector<16xi1>, vector<16xi32>
      %select_n3A_228 = arith.select %gt3A_222, %get3A_219, %select_n3A_213 : vector<16xi1>, vector<16xf32>
      %select_n3A_229 = arith.select %gt3A_222, %broadcast_in_dim3A_221, %select_n3A_214 : vector<16xi1>, vector<16xi32>
      %get3A_230 = arith.constant 15 : i32
      %get3A_231 = arith.index_cast %get3A_230 : i32 to index
      %get3A_232 = arith.index_cast %mul3A_12 : i32 to index
      %get3A_233 = tpu.vector_load %arg5[%get3A_231, %get3A_232] {strides = array<i32>} : memref<16x256xf32, #tpu.memory_space<vmem>>, vector<1x16xf32>,
      %get3A_234 = vector.shape_cast %get3A_233 : vector<1x16xf32> to vector<16xf32>
      %broadcast_in_dim3A_235 = arith.constant 15 : i32
      %broadcast_in_dim3A_236 = vector.broadcast %broadcast_in_dim3A_235 : i32 to vector<16xi32>
      %gt3A_237 = arith.cmpf ogt, %get3A_234, %select_n3A_228 : vector<16xf32>
      %gt3A_238 = arith.cmpf ogt, %get3A_234, %select_n3A_225 : vector<16xf32>
      %select_n3A_239 = arith.select %gt3A_238, %get3A_234, %select_n3A_225 : vector<16xi1>, vector<16xf32>
      %select_n3A_240 = arith.select %gt3A_237, %select_n3A_228, %select_n3A_239 : vector<16xi1>, vector<16xf32>
      %select_n3A_241 = arith.select %gt3A_238, %broadcast_in_dim3A_236, %select_n3A_227 : vector<16xi1>, vector<16xi32>
      %select_n3A_242 = arith.select %gt3A_237, %select_n3A_229, %select_n3A_241 : vector<16xi1>, vector<16xi32>
      %select_n3A_243 = arith.select %gt3A_237, %get3A_234, %select_n3A_228 : vector<16xi1>, vector<16xf32>
      %select_n3A_244 = arith.select %gt3A_237, %broadcast_in_dim3A_236, %select_n3A_229 : vector<16xi1>, vector<16xi32>
      %sub3A = arith.subf %select_n3A_240, %select_n3A_243 : vector<16xf32>
      %exp3A = math.exp %sub3A : vector<16xf32>
      %add3A_245 = arith.constant 1.000000e+00 : f32
      %add3A_246 = vector.broadcast %add3A_245 : f32 to vector<16xf32>
      %add3A_247 = arith.addf %add3A_246, %exp3A : vector<16xf32>
      %div3A = arith.constant 1.000000e+00 : f32
      %div3A_248 = vector.broadcast %div3A : f32 to vector<16xf32>
      %div3A_249 = arith.divf %div3A_248, %add3A_247 : vector<16xf32>
      %swap3A = arith.constant 0 : i32
      %swap3A_250 = arith.index_cast %swap3A : i32 to index
      %swap3A_251 = arith.index_cast %mul3A_12 : i32 to index
      %swap3A_252 = tpu.vector_load %arg6[%swap3A_250, %swap3A_251] {strides = array<i32>} : memref<2x256xf32, #tpu.memory_space<vmem>>, vector<1x16xf32>,
      %swap3A_253 = vector.shape_cast %swap3A_252 : vector<1x16xf32> to vector<16xf32>
      %swap3A_254 = vector.shape_cast %div3A_249 : vector<16xf32> to vector<1x16xf32>
      tpu.vector_store %arg6[%swap3A_250, %swap3A_251], %swap3A_254 {strides = array<i32>} : memref<2x256xf32, #tpu.memory_space<vmem>>, vector<1x16xf32>,
      %div3A_255 = arith.divf %exp3A, %add3A_247 : vector<16xf32>
      %swap3A_256 = arith.constant 1 : i32
      %swap3A_257 = arith.index_cast %swap3A_256 : i32 to index
      %swap3A_258 = arith.index_cast %mul3A_12 : i32 to index
      %swap3A_259 = tpu.vector_load %arg6[%swap3A_257, %swap3A_258] {strides = array<i32>} : memref<2x256xf32, #tpu.memory_space<vmem>>, vector<1x16xf32>,
      %swap3A_260 = vector.shape_cast %swap3A_259 : vector<1x16xf32> to vector<16xf32>
      %swap3A_261 = vector.shape_cast %div3A_255 : vector<16xf32> to vector<1x16xf32>
      tpu.vector_store %arg6[%swap3A_257, %swap3A_258], %swap3A_261 {strides = array<i32>} : memref<2x256xf32, #tpu.memory_space<vmem>>, vector<1x16xf32>,
      %swap3A_262 = arith.constant 0 : i32
      %swap3A_263 = arith.index_cast %swap3A_262 : i32 to index
      %swap3A_264 = arith.index_cast %mul3A_12 : i32 to index
      %swap3A_265 = tpu.vector_load %arg7[%swap3A_263, %swap3A_264] {strides = array<i32>} : memref<2x256xi32, #tpu.memory_space<vmem>>, vector<1x16xi32>,
      %swap3A_266 = vector.shape_cast %swap3A_265 : vector<1x16xi32> to vector<16xi32>
      %swap3A_267 = vector.shape_cast %select_n3A_244 : vector<16xi32> to vector<1x16xi32>
      tpu.vector_store %arg7[%swap3A_263, %swap3A_264], %swap3A_267 {strides = array<i32>} : memref<2x256xi32, #tpu.memory_space<vmem>>, vector<1x16xi32>,
      %swap3A_268 = arith.constant 1 : i32
      %swap3A_269 = arith.index_cast %swap3A_268 : i32 to index
      %swap3A_270 = arith.index_cast %mul3A_12 : i32 to index
      %swap3A_271 = tpu.vector_load %arg7[%swap3A_269, %swap3A_270] {strides = array<i32>} : memref<2x256xi32, #tpu.memory_space<vmem>>, vector<1x16xi32>,
      %swap3A_272 = vector.shape_cast %swap3A_271 : vector<1x16xi32> to vector<16xi32>
      %swap3A_273 = vector.shape_cast %select_n3A_242 : vector<16xi32> to vector<1x16xi32>
      tpu.vector_store %arg7[%swap3A_269, %swap3A_270], %swap3A_273 {strides = array<i32>} : memref<2x256xi32, #tpu.memory_space<vmem>>, vector<1x16xi32>,
      %scan3A_274 = arith.constant 0 : i32
      scf.yield %scan3A_274 : i32
    }
    %scan3A_8 = arith.constant 16 : i32
    "tpu.region"() ({
      %run_scoped3A = tpu.sem_alloc : memref<!tpu.dma_semaphore, #tpu.memory_space<semaphore_mem>>
      %dma_start3A = arith.constant 0 : i32
      %dma_start3A_9 = tpu.memref_slice %arg3[%dma_start3A, %mul3A_2] : memref<2x8192xf32, #tpu.memory_space<hbm>> -> memref<2x256xf32, #tpu.memory_space<hbm>>
      %dma_start3A_10 = arith.constant 0 : i32
      %dma_start3A_11 = tpu.memref_slice %arg3[%dma_start3A_10, %mul3A_2] : memref<2x8192xf32, #tpu.memory_space<hbm>> -> memref<2x256xf32, #tpu.memory_space<hbm>>
      tpu.enqueue_dma source(%arg6 : memref<2x256xf32, #tpu.memory_space<vmem>>) target(%dma_start3A_11 : memref<2x256xf32, #tpu.memory_space<hbm>>) target_semaphore(%run_scoped3A : memref<!tpu.dma_semaphore, #tpu.memory_space<semaphore_mem>>)
      %dma_wait3A = arith.constant 0 : i32
      %dma_wait3A_12 = tpu.memref_slice %arg3[%dma_wait3A, %mul3A_2] : memref<2x8192xf32, #tpu.memory_space<hbm>> -> memref<2x256xf32, #tpu.memory_space<hbm>>
      %dma_wait3A_13 = arith.constant 0 : i32
      %dma_wait3A_14 = tpu.memref_slice %arg3[%dma_wait3A_13, %mul3A_2] : memref<2x8192xf32, #tpu.memory_space<hbm>> -> memref<2x256xf32, #tpu.memory_space<hbm>>
      tpu.wait_dma2 semaphore(%run_scoped3A : memref<!tpu.dma_semaphore, #tpu.memory_space<semaphore_mem>>) src(%arg6 : memref<2x256xf32, #tpu.memory_space<vmem>>) dst(%dma_wait3A_14 : memref<2x256xf32, #tpu.memory_space<hbm>>)
      tpu.yield
    }) : () -> ()
    "tpu.region"() ({
      %run_scoped3A = tpu.sem_alloc : memref<!tpu.dma_semaphore, #tpu.memory_space<semaphore_mem>>
      %dma_start3A = arith.constant 0 : i32
      %dma_start3A_9 = tpu.memref_slice %arg4[%dma_start3A, %mul3A_2] : memref<2x8192xi32, #tpu.memory_space<hbm>> -> memref<2x256xi32, #tpu.memory_space<hbm>>
      %dma_start3A_10 = arith.constant 0 : i32
      %dma_start3A_11 = tpu.memref_slice %arg4[%dma_start3A_10, %mul3A_2] : memref<2x8192xi32, #tpu.memory_space<hbm>> -> memref<2x256xi32, #tpu.memory_space<hbm>>
      tpu.enqueue_dma source(%arg7 : memref<2x256xi32, #tpu.memory_space<vmem>>) target(%dma_start3A_11 : memref<2x256xi32, #tpu.memory_space<hbm>>) target_semaphore(%run_scoped3A : memref<!tpu.dma_semaphore, #tpu.memory_space<semaphore_mem>>)
      %dma_wait3A = arith.constant 0 : i32
      %dma_wait3A_12 = tpu.memref_slice %arg4[%dma_wait3A, %mul3A_2] : memref<2x8192xi32, #tpu.memory_space<hbm>> -> memref<2x256xi32, #tpu.memory_space<hbm>>
      %dma_wait3A_13 = arith.constant 0 : i32
      %dma_wait3A_14 = tpu.memref_slice %arg4[%dma_wait3A_13, %mul3A_2] : memref<2x8192xi32, #tpu.memory_space<hbm>> -> memref<2x256xi32, #tpu.memory_space<hbm>>
      tpu.wait_dma2 semaphore(%run_scoped3A : memref<!tpu.dma_semaphore, #tpu.memory_space<semaphore_mem>>) src(%arg7 : memref<2x256xi32, #tpu.memory_space<vmem>>) dst(%dma_wait3A_14 : memref<2x256xi32, #tpu.memory_space<hbm>>)
      tpu.yield
    }) : () -> ()
    return
  }
}

#map = affine_map<(d0, d1) -> (0, 0)>
module attributes {stable_mosaic.version = 14 : i64} {
  func.func @_router(%arg0: i32, %arg1: i32, %arg2: memref<16x8192xf32, #tpu.memory_space<hbm>>, %arg3: memref<2x8192xf32, #tpu.memory_space<hbm>>, %arg4: memref<2x8192xi32, #tpu.memory_space<hbm>>, %arg5: memref<16x256xf32, #tpu.memory_space<vmem>>, %arg6: memref<2x256xf32, #tpu.memory_space<vmem>>, %arg7: memref<2x256xi32, #tpu.memory_space<vmem>>) attributes {dimension_semantics = [#tpu.dimension_semantics<core_parallel>, #tpu.dimension_semantics<subcore_parallel>], iteration_bounds = array<i64: 2, 16>, scalar_prefetch = 0 : i64, scratch_operands = 3 : i64, tpu.core_type = #tpu.core_type<sc_vector_subcore>, window_params = [{transform_indices = #map}, {transform_indices = #map}, {transform_indices = #map}]} {
    %mul3A = arith.constant 2 : i32
    %mul3A_0 = arith.muli %arg1, %mul3A : i32
    %add3A = arith.addi %mul3A_0, %arg0 : i32
    %mul3A_1 = arith.constant 256 : i32
    %mul3A_2 = arith.muli %add3A, %mul3A_1 : i32
    "tpu.region"() ({
      %run_scoped3A = tpu.sem_alloc : memref<!tpu.dma_semaphore, #tpu.memory_space<semaphore_mem>>
      %dma_start3A = arith.constant 0 : i32
      %dma_start3A_9 = tpu.memref_slice %arg2[%dma_start3A, %mul3A_2] : memref<16x8192xf32, #tpu.memory_space<hbm>> -> memref<16x256xf32, #tpu.memory_space<hbm>>
      %dma_start3A_10 = arith.constant 0 : i32
      %dma_start3A_11 = tpu.memref_slice %arg2[%dma_start3A_10, %mul3A_2] : memref<16x8192xf32, #tpu.memory_space<hbm>> -> memref<16x256xf32, #tpu.memory_space<hbm>>
      tpu.enqueue_dma source(%dma_start3A_11 : memref<16x256xf32, #tpu.memory_space<hbm>>) target(%arg5 : memref<16x256xf32, #tpu.memory_space<vmem>>) target_semaphore(%run_scoped3A : memref<!tpu.dma_semaphore, #tpu.memory_space<semaphore_mem>>)
      %dma_wait3A = arith.constant 0 : i32
      %dma_wait3A_12 = tpu.memref_slice %arg2[%dma_wait3A, %mul3A_2] : memref<16x8192xf32, #tpu.memory_space<hbm>> -> memref<16x256xf32, #tpu.memory_space<hbm>>
      %dma_wait3A_13 = arith.constant 0 : i32
      %dma_wait3A_14 = tpu.memref_slice %arg2[%dma_wait3A_13, %mul3A_2] : memref<16x8192xf32, #tpu.memory_space<hbm>> -> memref<16x256xf32, #tpu.memory_space<hbm>>
      tpu.wait_dma2 semaphore(%run_scoped3A : memref<!tpu.dma_semaphore, #tpu.memory_space<semaphore_mem>>) src(%dma_wait3A_14 : memref<16x256xf32, #tpu.memory_space<hbm>>) dst(%arg5 : memref<16x256xf32, #tpu.memory_space<vmem>>)
      tpu.yield
    }) : () -> ()
    %scan3A = arith.constant 0 : i32
    %scan3A_3 = arith.constant 0 : i32
    %scan3A_4 = arith.constant 16 : i32
    %scan3A_5 = arith.addi %scan3A_3, %scan3A_4 : i32
    %scan3A_6 = arith.constant 1 : i32
    %scan3A_7 = scf.for %scan3A_9 = %scan3A_3 to %scan3A_5 step %scan3A_6 iter_args(%scan3A_10 = %scan3A) -> (i32)  : i32 {
      %mul3A_11 = arith.constant 16 : i32
      %mul3A_12 = arith.muli %scan3A_9, %mul3A_11 : i32
      %get3A = arith.constant 0 : i32
      %get3A_13 = arith.index_cast %get3A : i32 to index
      %get3A_14 = arith.index_cast %mul3A_12 : i32 to index
      %get3A_15 = tpu.vector_load %arg5[%get3A_13, %get3A_14] {strides = array<i32>} : memref<16x256xf32, #tpu.memory_space<vmem>>, vector<1x16xf32>,
      %get3A_16 = vector.shape_cast %get3A_15 : vector<1x16xf32> to vector<16xf32>
      %broadcast_in_dim3A = arith.constant 0 : i32
      %broadcast_in_dim3A_17 = vector.broadcast %broadcast_in_dim3A : i32 to vector<16xi32>
      %broadcast_in_dim3A_18 = arith.constant 0xFF800000 : f32
      %broadcast_in_dim3A_19 = vector.broadcast %broadcast_in_dim3A_18 : f32 to vector<16xf32>
      %broadcast_in_dim3A_20 = arith.constant 0 : i32
      %broadcast_in_dim3A_21 = vector.broadcast %broadcast_in_dim3A_20 : i32 to vector<16xi32>
      %get3A_22 = arith.constant 1 : i32
      %get3A_23 = arith.index_cast %get3A_22 : i32 to index
      %get3A_24 = arith.index_cast %mul3A_12 : i32 to index
      %get3A_25 = tpu.vector_load %arg5[%get3A_23, %get3A_24] {strides = array<i32>} : memref<16x256xf32, #tpu.memory_space<vmem>>, vector<1x16xf32>,
      %get3A_26 = vector.shape_cast %get3A_25 : vector<1x16xf32> to vector<16xf32>
      %broadcast_in_dim3A_27 = arith.constant 1 : i32
      %broadcast_in_dim3A_28 = vector.broadcast %broadcast_in_dim3A_27 : i32 to vector<16xi32>
      %gt3A = arith.cmpf ogt, %get3A_26, %get3A_16 : vector<16xf32>
      %gt3A_29 = arith.cmpf ogt, %get3A_26, %broadcast_in_dim3A_19 : vector<16xf32>
      %select_n3A = arith.select %gt3A_29, %get3A_26, %broadcast_in_dim3A_19 : vector<16xi1>, vector<16xf32>
      %select_n3A_30 = arith.select %gt3A, %get3A_16, %select_n3A : vector<16xi1>, vector<16xf32>
      %select_n3A_31 = arith.select %gt3A_29, %broadcast_in_dim3A_28, %broadcast_in_dim3A_21 : vector<16xi1>, vector<16xi32>
      %select_n3A_32 = arith.select %gt3A, %broadcast_in_dim3A_17, %select_n3A_31 : vector<16xi1>, vector<16xi32>
      %select_n3A_33 = arith.select %gt3A, %get3A_26, %get3A_16 : vector<16xi1>, vector<16xf32>
      %select_n3A_34 = arith.select %gt3A, %broadcast_in_dim3A_28, %broadcast_in_dim3A_17 : vector<16xi1>, vector<16xi32>
      %get3A_35 = arith.constant 2 : i32
      %get3A_36 = arith.index_cast %get3A_35 : i32 to index
      %get3A_37 = arith.index_cast %mul3A_12 : i32 to index
      %get3A_38 = tpu.vector_load %arg5[%get3A_36, %get3A_37] {strides = array<i32>} : memref<16x256xf32, #tpu.memory_space<vmem>>, vector<1x16xf32>,
      %get3A_39 = vector.shape_cast %get3A_38 : vector<1x16xf32> to vector<16xf32>
      %broadcast_in_dim3A_40 = arith.constant 2 : i32
      %broadcast_in_dim3A_41 = vector.broadcast %broadcast_in_dim3A_40 : i32 to vector<16xi32>
      %gt3A_42 = arith.cmpf ogt, %get3A_39, %select_n3A_33 : vector<16xf32>
      %gt3A_43 = arith.cmpf ogt, %get3A_39, %select_n3A_30 : vector<16xf32>
      %select_n3A_44 = arith.select %gt3A_43, %get3A_39, %select_n3A_30 : vector<16xi1>, vector<16xf32>
      %select_n3A_45 = arith.select %gt3A_42, %select_n3A_33, %select_n3A_44 : vector<16xi1>, vector<16xf32>
      %select_n3A_46 = arith.select %gt3A_43, %broadcast_in_dim3A_41, %select_n3A_32 : vector<16xi1>, vector<16xi32>
      %select_n3A_47 = arith.select %gt3A_42, %select_n3A_34, %select_n3A_46 : vector<16xi1>, vector<16xi32>
      %select_n3A_48 = arith.select %gt3A_42, %get3A_39, %select_n3A_33 : vector<16xi1>, vector<16xf32>
      %select_n3A_49 = arith.select %gt3A_42, %broadcast_in_dim3A_41, %select_n3A_34 : vector<16xi1>, vector<16xi32>
      %get3A_50 = arith.constant 3 : i32
      %get3A_51 = arith.index_cast %get3A_50 : i32 to index
      %get3A_52 = arith.index_cast %mul3A_12 : i32 to index
      %get3A_53 = tpu.vector_load %arg5[%get3A_51, %get3A_52] {strides = array<i32>} : memref<16x256xf32, #tpu.memory_space<vmem>>, vector<1x16xf32>,
      %get3A_54 = vector.shape_cast %get3A_53 : vector<1x16xf32> to vector<16xf32>
      %broadcast_in_dim3A_55 = arith.constant 3 : i32
      %broadcast_in_dim3A_56 = vector.broadcast %broadcast_in_dim3A_55 : i32 to vector<16xi32>
      %gt3A_57 = arith.cmpf ogt, %get3A_54, %select_n3A_48 : vector<16xf32>
      %gt3A_58 = arith.cmpf ogt, %get3A_54, %select_n3A_45 : vector<16xf32>
      %select_n3A_59 = arith.select %gt3A_58, %get3A_54, %select_n3A_45 : vector<16xi1>, vector<16xf32>
      %select_n3A_60 = arith.select %gt3A_57, %select_n3A_48, %select_n3A_59 : vector<16xi1>, vector<16xf32>
      %select_n3A_61 = arith.select %gt3A_58, %broadcast_in_dim3A_56, %select_n3A_47 : vector<16xi1>, vector<16xi32>
      %select_n3A_62 = arith.select %gt3A_57, %select_n3A_49, %select_n3A_61 : vector<16xi1>, vector<16xi32>
      %select_n3A_63 = arith.select %gt3A_57, %get3A_54, %select_n3A_48 : vector<16xi1>, vector<16xf32>
      %select_n3A_64 = arith.select %gt3A_57, %broadcast_in_dim3A_56, %select_n3A_49 : vector<16xi1>, vector<16xi32>
      %get3A_65 = arith.constant 4 : i32
      %get3A_66 = arith.index_cast %get3A_65 : i32 to index
      %get3A_67 = arith.index_cast %mul3A_12 : i32 to index
      %get3A_68 = tpu.vector_load %arg5[%get3A_66, %get3A_67] {strides = array<i32>} : memref<16x256xf32, #tpu.memory_space<vmem>>, vector<1x16xf32>,
      %get3A_69 = vector.shape_cast %get3A_68 : vector<1x16xf32> to vector<16xf32>
      %broadcast_in_dim3A_70 = arith.constant 4 : i32
      %broadcast_in_dim3A_71 = vector.broadcast %broadcast_in_dim3A_70 : i32 to vector<16xi32>
      %gt3A_72 = arith.cmpf ogt, %get3A_69, %select_n3A_63 : vector<16xf32>
      %gt3A_73 = arith.cmpf ogt, %get3A_69, %select_n3A_60 : vector<16xf32>
      %select_n3A_74 = arith.select %gt3A_73, %get3A_69, %select_n3A_60 : vector<16xi1>, vector<16xf32>
      %select_n3A_75 = arith.select %gt3A_72, %select_n3A_63, %select_n3A_74 : vector<16xi1>, vector<16xf32>
      %select_n3A_76 = arith.select %gt3A_73, %broadcast_in_dim3A_71, %select_n3A_62 : vector<16xi1>, vector<16xi32>
      %select_n3A_77 = arith.select %gt3A_72, %select_n3A_64, %select_n3A_76 : vector<16xi1>, vector<16xi32>
      %select_n3A_78 = arith.select %gt3A_72, %get3A_69, %select_n3A_63 : vector<16xi1>, vector<16xf32>
      %select_n3A_79 = arith.select %gt3A_72, %broadcast_in_dim3A_71, %select_n3A_64 : vector<16xi1>, vector<16xi32>
      %get3A_80 = arith.constant 5 : i32
      %get3A_81 = arith.index_cast %get3A_80 : i32 to index
      %get3A_82 = arith.index_cast %mul3A_12 : i32 to index
      %get3A_83 = tpu.vector_load %arg5[%get3A_81, %get3A_82] {strides = array<i32>} : memref<16x256xf32, #tpu.memory_space<vmem>>, vector<1x16xf32>,
      %get3A_84 = vector.shape_cast %get3A_83 : vector<1x16xf32> to vector<16xf32>
      %broadcast_in_dim3A_85 = arith.constant 5 : i32
      %broadcast_in_dim3A_86 = vector.broadcast %broadcast_in_dim3A_85 : i32 to vector<16xi32>
      %gt3A_87 = arith.cmpf ogt, %get3A_84, %select_n3A_78 : vector<16xf32>
      %gt3A_88 = arith.cmpf ogt, %get3A_84, %select_n3A_75 : vector<16xf32>
      %select_n3A_89 = arith.select %gt3A_88, %get3A_84, %select_n3A_75 : vector<16xi1>, vector<16xf32>
      %select_n3A_90 = arith.select %gt3A_87, %select_n3A_78, %select_n3A_89 : vector<16xi1>, vector<16xf32>
      %select_n3A_91 = arith.select %gt3A_88, %broadcast_in_dim3A_86, %select_n3A_77 : vector<16xi1>, vector<16xi32>
      %select_n3A_92 = arith.select %gt3A_87, %select_n3A_79, %select_n3A_91 : vector<16xi1>, vector<16xi32>
      %select_n3A_93 = arith.select %gt3A_87, %get3A_84, %select_n3A_78 : vector<16xi1>, vector<16xf32>
      %select_n3A_94 = arith.select %gt3A_87, %broadcast_in_dim3A_86, %select_n3A_79 : vector<16xi1>, vector<16xi32>
      %get3A_95 = arith.constant 6 : i32
      %get3A_96 = arith.index_cast %get3A_95 : i32 to index
      %get3A_97 = arith.index_cast %mul3A_12 : i32 to index
      %get3A_98 = tpu.vector_load %arg5[%get3A_96, %get3A_97] {strides = array<i32>} : memref<16x256xf32, #tpu.memory_space<vmem>>, vector<1x16xf32>,
      %get3A_99 = vector.shape_cast %get3A_98 : vector<1x16xf32> to vector<16xf32>
      %broadcast_in_dim3A_100 = arith.constant 6 : i32
      %broadcast_in_dim3A_101 = vector.broadcast %broadcast_in_dim3A_100 : i32 to vector<16xi32>
      %gt3A_102 = arith.cmpf ogt, %get3A_99, %select_n3A_93 : vector<16xf32>
      %gt3A_103 = arith.cmpf ogt, %get3A_99, %select_n3A_90 : vector<16xf32>
      %select_n3A_104 = arith.select %gt3A_103, %get3A_99, %select_n3A_90 : vector<16xi1>, vector<16xf32>
      %select_n3A_105 = arith.select %gt3A_102, %select_n3A_93, %select_n3A_104 : vector<16xi1>, vector<16xf32>
      %select_n3A_106 = arith.select %gt3A_103, %broadcast_in_dim3A_101, %select_n3A_92 : vector<16xi1>, vector<16xi32>
      %select_n3A_107 = arith.select %gt3A_102, %select_n3A_94, %select_n3A_106 : vector<16xi1>, vector<16xi32>
      %select_n3A_108 = arith.select %gt3A_102, %get3A_99, %select_n3A_93 : vector<16xi1>, vector<16xf32>
      %select_n3A_109 = arith.select %gt3A_102, %broadcast_in_dim3A_101, %select_n3A_94 : vector<16xi1>, vector<16xi32>
      %get3A_110 = arith.constant 7 : i32
      %get3A_111 = arith.index_cast %get3A_110 : i32 to index
      %get3A_112 = arith.index_cast %mul3A_12 : i32 to index
      %get3A_113 = tpu.vector_load %arg5[%get3A_111, %get3A_112] {strides = array<i32>} : memref<16x256xf32, #tpu.memory_space<vmem>>, vector<1x16xf32>,
      %get3A_114 = vector.shape_cast %get3A_113 : vector<1x16xf32> to vector<16xf32>
      %broadcast_in_dim3A_115 = arith.constant 7 : i32
      %broadcast_in_dim3A_116 = vector.broadcast %broadcast_in_dim3A_115 : i32 to vector<16xi32>
      %gt3A_117 = arith.cmpf ogt, %get3A_114, %select_n3A_108 : vector<16xf32>
      %gt3A_118 = arith.cmpf ogt, %get3A_114, %select_n3A_105 : vector<16xf32>
      %select_n3A_119 = arith.select %gt3A_118, %get3A_114, %select_n3A_105 : vector<16xi1>, vector<16xf32>
      %select_n3A_120 = arith.select %gt3A_117, %select_n3A_108, %select_n3A_119 : vector<16xi1>, vector<16xf32>
      %select_n3A_121 = arith.select %gt3A_118, %broadcast_in_dim3A_116, %select_n3A_107 : vector<16xi1>, vector<16xi32>
      %select_n3A_122 = arith.select %gt3A_117, %select_n3A_109, %select_n3A_121 : vector<16xi1>, vector<16xi32>
      %select_n3A_123 = arith.select %gt3A_117, %get3A_114, %select_n3A_108 : vector<16xi1>, vector<16xf32>
      %select_n3A_124 = arith.select %gt3A_117, %broadcast_in_dim3A_116, %select_n3A_109 : vector<16xi1>, vector<16xi32>
      %get3A_125 = arith.constant 8 : i32
      %get3A_126 = arith.index_cast %get3A_125 : i32 to index
      %get3A_127 = arith.index_cast %mul3A_12 : i32 to index
      %get3A_128 = tpu.vector_load %arg5[%get3A_126, %get3A_127] {strides = array<i32>} : memref<16x256xf32, #tpu.memory_space<vmem>>, vector<1x16xf32>,
      %get3A_129 = vector.shape_cast %get3A_128 : vector<1x16xf32> to vector<16xf32>
      %broadcast_in_dim3A_130 = arith.constant 8 : i32
      %broadcast_in_dim3A_131 = vector.broadcast %broadcast_in_dim3A_130 : i32 to vector<16xi32>
      %gt3A_132 = arith.cmpf ogt, %get3A_129, %select_n3A_123 : vector<16xf32>
      %gt3A_133 = arith.cmpf ogt, %get3A_129, %select_n3A_120 : vector<16xf32>
      %select_n3A_134 = arith.select %gt3A_133, %get3A_129, %select_n3A_120 : vector<16xi1>, vector<16xf32>
      %select_n3A_135 = arith.select %gt3A_132, %select_n3A_123, %select_n3A_134 : vector<16xi1>, vector<16xf32>
      %select_n3A_136 = arith.select %gt3A_133, %broadcast_in_dim3A_131, %select_n3A_122 : vector<16xi1>, vector<16xi32>
      %select_n3A_137 = arith.select %gt3A_132, %select_n3A_124, %select_n3A_136 : vector<16xi1>, vector<16xi32>
      %select_n3A_138 = arith.select %gt3A_132, %get3A_129, %select_n3A_123 : vector<16xi1>, vector<16xf32>
      %select_n3A_139 = arith.select %gt3A_132, %broadcast_in_dim3A_131, %select_n3A_124 : vector<16xi1>, vector<16xi32>
      %get3A_140 = arith.constant 9 : i32
      %get3A_141 = arith.index_cast %get3A_140 : i32 to index
      %get3A_142 = arith.index_cast %mul3A_12 : i32 to index
      %get3A_143 = tpu.vector_load %arg5[%get3A_141, %get3A_142] {strides = array<i32>} : memref<16x256xf32, #tpu.memory_space<vmem>>, vector<1x16xf32>,
      %get3A_144 = vector.shape_cast %get3A_143 : vector<1x16xf32> to vector<16xf32>
      %broadcast_in_dim3A_145 = arith.constant 9 : i32
      %broadcast_in_dim3A_146 = vector.broadcast %broadcast_in_dim3A_145 : i32 to vector<16xi32>
      %gt3A_147 = arith.cmpf ogt, %get3A_144, %select_n3A_138 : vector<16xf32>
      %gt3A_148 = arith.cmpf ogt, %get3A_144, %select_n3A_135 : vector<16xf32>
      %select_n3A_149 = arith.select %gt3A_148, %get3A_144, %select_n3A_135 : vector<16xi1>, vector<16xf32>
      %select_n3A_150 = arith.select %gt3A_147, %select_n3A_138, %select_n3A_149 : vector<16xi1>, vector<16xf32>
      %select_n3A_151 = arith.select %gt3A_148, %broadcast_in_dim3A_146, %select_n3A_137 : vector<16xi1>, vector<16xi32>
      %select_n3A_152 = arith.select %gt3A_147, %select_n3A_139, %select_n3A_151 : vector<16xi1>, vector<16xi32>
      %select_n3A_153 = arith.select %gt3A_147, %get3A_144, %select_n3A_138 : vector<16xi1>, vector<16xf32>
      %select_n3A_154 = arith.select %gt3A_147, %broadcast_in_dim3A_146, %select_n3A_139 : vector<16xi1>, vector<16xi32>
      %get3A_155 = arith.constant 10 : i32
      %get3A_156 = arith.index_cast %get3A_155 : i32 to index
      %get3A_157 = arith.index_cast %mul3A_12 : i32 to index
      %get3A_158 = tpu.vector_load %arg5[%get3A_156, %get3A_157] {strides = array<i32>} : memref<16x256xf32, #tpu.memory_space<vmem>>, vector<1x16xf32>,
      %get3A_159 = vector.shape_cast %get3A_158 : vector<1x16xf32> to vector<16xf32>
      %broadcast_in_dim3A_160 = arith.constant 10 : i32
      %broadcast_in_dim3A_161 = vector.broadcast %broadcast_in_dim3A_160 : i32 to vector<16xi32>
      %gt3A_162 = arith.cmpf ogt, %get3A_159, %select_n3A_153 : vector<16xf32>
      %gt3A_163 = arith.cmpf ogt, %get3A_159, %select_n3A_150 : vector<16xf32>
      %select_n3A_164 = arith.select %gt3A_163, %get3A_159, %select_n3A_150 : vector<16xi1>, vector<16xf32>
      %select_n3A_165 = arith.select %gt3A_162, %select_n3A_153, %select_n3A_164 : vector<16xi1>, vector<16xf32>
      %select_n3A_166 = arith.select %gt3A_163, %broadcast_in_dim3A_161, %select_n3A_152 : vector<16xi1>, vector<16xi32>
      %select_n3A_167 = arith.select %gt3A_162, %select_n3A_154, %select_n3A_166 : vector<16xi1>, vector<16xi32>
      %select_n3A_168 = arith.select %gt3A_162, %get3A_159, %select_n3A_153 : vector<16xi1>, vector<16xf32>
      %select_n3A_169 = arith.select %gt3A_162, %broadcast_in_dim3A_161, %select_n3A_154 : vector<16xi1>, vector<16xi32>
      %get3A_170 = arith.constant 11 : i32
      %get3A_171 = arith.index_cast %get3A_170 : i32 to index
      %get3A_172 = arith.index_cast %mul3A_12 : i32 to index
      %get3A_173 = tpu.vector_load %arg5[%get3A_171, %get3A_172] {strides = array<i32>} : memref<16x256xf32, #tpu.memory_space<vmem>>, vector<1x16xf32>,
      %get3A_174 = vector.shape_cast %get3A_173 : vector<1x16xf32> to vector<16xf32>
      %broadcast_in_dim3A_175 = arith.constant 11 : i32
      %broadcast_in_dim3A_176 = vector.broadcast %broadcast_in_dim3A_175 : i32 to vector<16xi32>
      %gt3A_177 = arith.cmpf ogt, %get3A_174, %select_n3A_168 : vector<16xf32>
      %gt3A_178 = arith.cmpf ogt, %get3A_174, %select_n3A_165 : vector<16xf32>
      %select_n3A_179 = arith.select %gt3A_178, %get3A_174, %select_n3A_165 : vector<16xi1>, vector<16xf32>
      %select_n3A_180 = arith.select %gt3A_177, %select_n3A_168, %select_n3A_179 : vector<16xi1>, vector<16xf32>
      %select_n3A_181 = arith.select %gt3A_178, %broadcast_in_dim3A_176, %select_n3A_167 : vector<16xi1>, vector<16xi32>
      %select_n3A_182 = arith.select %gt3A_177, %select_n3A_169, %select_n3A_181 : vector<16xi1>, vector<16xi32>
      %select_n3A_183 = arith.select %gt3A_177, %get3A_174, %select_n3A_168 : vector<16xi1>, vector<16xf32>
      %select_n3A_184 = arith.select %gt3A_177, %broadcast_in_dim3A_176, %select_n3A_169 : vector<16xi1>, vector<16xi32>
      %get3A_185 = arith.constant 12 : i32
      %get3A_186 = arith.index_cast %get3A_185 : i32 to index
      %get3A_187 = arith.index_cast %mul3A_12 : i32 to index
      %get3A_188 = tpu.vector_load %arg5[%get3A_186, %get3A_187] {strides = array<i32>} : memref<16x256xf32, #tpu.memory_space<vmem>>, vector<1x16xf32>,
      %get3A_189 = vector.shape_cast %get3A_188 : vector<1x16xf32> to vector<16xf32>
      %broadcast_in_dim3A_190 = arith.constant 12 : i32
      %broadcast_in_dim3A_191 = vector.broadcast %broadcast_in_dim3A_190 : i32 to vector<16xi32>
      %gt3A_192 = arith.cmpf ogt, %get3A_189, %select_n3A_183 : vector<16xf32>
      %gt3A_193 = arith.cmpf ogt, %get3A_189, %select_n3A_180 : vector<16xf32>
      %select_n3A_194 = arith.select %gt3A_193, %get3A_189, %select_n3A_180 : vector<16xi1>, vector<16xf32>
      %select_n3A_195 = arith.select %gt3A_192, %select_n3A_183, %select_n3A_194 : vector<16xi1>, vector<16xf32>
      %select_n3A_196 = arith.select %gt3A_193, %broadcast_in_dim3A_191, %select_n3A_182 : vector<16xi1>, vector<16xi32>
      %select_n3A_197 = arith.select %gt3A_192, %select_n3A_184, %select_n3A_196 : vector<16xi1>, vector<16xi32>
      %select_n3A_198 = arith.select %gt3A_192, %get3A_189, %select_n3A_183 : vector<16xi1>, vector<16xf32>
      %select_n3A_199 = arith.select %gt3A_192, %broadcast_in_dim3A_191, %select_n3A_184 : vector<16xi1>, vector<16xi32>
      %get3A_200 = arith.constant 13 : i32
      %get3A_201 = arith.index_cast %get3A_200 : i32 to index
      %get3A_202 = arith.index_cast %mul3A_12 : i32 to index
      %get3A_203 = tpu.vector_load %arg5[%get3A_201, %get3A_202] {strides = array<i32>} : memref<16x256xf32, #tpu.memory_space<vmem>>, vector<1x16xf32>,
      %get3A_204 = vector.shape_cast %get3A_203 : vector<1x16xf32> to vector<16xf32>
      %broadcast_in_dim3A_205 = arith.constant 13 : i32
      %broadcast_in_dim3A_206 = vector.broadcast %broadcast_in_dim3A_205 : i32 to vector<16xi32>
      %gt3A_207 = arith.cmpf ogt, %get3A_204, %select_n3A_198 : vector<16xf32>
      %gt3A_208 = arith.cmpf ogt, %get3A_204, %select_n3A_195 : vector<16xf32>
      %select_n3A_209 = arith.select %gt3A_208, %get3A_204, %select_n3A_195 : vector<16xi1>, vector<16xf32>
      %select_n3A_210 = arith.select %gt3A_207, %select_n3A_198, %select_n3A_209 : vector<16xi1>, vector<16xf32>
      %select_n3A_211 = arith.select %gt3A_208, %broadcast_in_dim3A_206, %select_n3A_197 : vector<16xi1>, vector<16xi32>
      %select_n3A_212 = arith.select %gt3A_207, %select_n3A_199, %select_n3A_211 : vector<16xi1>, vector<16xi32>
      %select_n3A_213 = arith.select %gt3A_207, %get3A_204, %select_n3A_198 : vector<16xi1>, vector<16xf32>
      %select_n3A_214 = arith.select %gt3A_207, %broadcast_in_dim3A_206, %select_n3A_199 : vector<16xi1>, vector<16xi32>
      %get3A_215 = arith.constant 14 : i32
      %get3A_216 = arith.index_cast %get3A_215 : i32 to index
      %get3A_217 = arith.index_cast %mul3A_12 : i32 to index
      %get3A_218 = tpu.vector_load %arg5[%get3A_216, %get3A_217] {strides = array<i32>} : memref<16x256xf32, #tpu.memory_space<vmem>>, vector<1x16xf32>,
      %get3A_219 = vector.shape_cast %get3A_218 : vector<1x16xf32> to vector<16xf32>
      %broadcast_in_dim3A_220 = arith.constant 14 : i32
      %broadcast_in_dim3A_221 = vector.broadcast %broadcast_in_dim3A_220 : i32 to vector<16xi32>
      %gt3A_222 = arith.cmpf ogt, %get3A_219, %select_n3A_213 : vector<16xf32>
      %gt3A_223 = arith.cmpf ogt, %get3A_219, %select_n3A_210 : vector<16xf32>
      %select_n3A_224 = arith.select %gt3A_223, %get3A_219, %select_n3A_210 : vector<16xi1>, vector<16xf32>
      %select_n3A_225 = arith.select %gt3A_222, %select_n3A_213, %select_n3A_224 : vector<16xi1>, vector<16xf32>
      %select_n3A_226 = arith.select %gt3A_223, %broadcast_in_dim3A_221, %select_n3A_212 : vector<16xi1>, vector<16xi32>
      %select_n3A_227 = arith.select %gt3A_222, %select_n3A_214, %select_n3A_226 : vector<16xi1>, vector<16xi32>
      %select_n3A_228 = arith.select %gt3A_222, %get3A_219, %select_n3A_213 : vector<16xi1>, vector<16xf32>
      %select_n3A_229 = arith.select %gt3A_222, %broadcast_in_dim3A_221, %select_n3A_214 : vector<16xi1>, vector<16xi32>
      %get3A_230 = arith.constant 15 : i32
      %get3A_231 = arith.index_cast %get3A_230 : i32 to index
      %get3A_232 = arith.index_cast %mul3A_12 : i32 to index
      %get3A_233 = tpu.vector_load %arg5[%get3A_231, %get3A_232] {strides = array<i32>} : memref<16x256xf32, #tpu.memory_space<vmem>>, vector<1x16xf32>,
      %get3A_234 = vector.shape_cast %get3A_233 : vector<1x16xf32> to vector<16xf32>
      %broadcast_in_dim3A_235 = arith.constant 15 : i32
      %broadcast_in_dim3A_236 = vector.broadcast %broadcast_in_dim3A_235 : i32 to vector<16xi32>
      %gt3A_237 = arith.cmpf ogt, %get3A_234, %select_n3A_228 : vector<16xf32>
      %gt3A_238 = arith.cmpf ogt, %get3A_234, %select_n3A_225 : vector<16xf32>
      %select_n3A_239 = arith.select %gt3A_238, %get3A_234, %select_n3A_225 : vector<16xi1>, vector<16xf32>
      %select_n3A_240 = arith.select %gt3A_237, %select_n3A_228, %select_n3A_239 : vector<16xi1>, vector<16xf32>
      %select_n3A_241 = arith.select %gt3A_238, %broadcast_in_dim3A_236, %select_n3A_227 : vector<16xi1>, vector<16xi32>
      %select_n3A_242 = arith.select %gt3A_237, %select_n3A_229, %select_n3A_241 : vector<16xi1>, vector<16xi32>
      %select_n3A_243 = arith.select %gt3A_237, %get3A_234, %select_n3A_228 : vector<16xi1>, vector<16xf32>
      %select_n3A_244 = arith.select %gt3A_237, %broadcast_in_dim3A_236, %select_n3A_229 : vector<16xi1>, vector<16xi32>
      %sub3A = arith.subf %select_n3A_240, %select_n3A_243 : vector<16xf32>
      %exp3A = math.exp %sub3A : vector<16xf32>
      %add3A_245 = arith.constant 1.000000e+00 : f32
      %add3A_246 = vector.broadcast %add3A_245 : f32 to vector<16xf32>
      %add3A_247 = arith.addf %add3A_246, %exp3A : vector<16xf32>
      %div3A = arith.constant 1.000000e+00 : f32
      %div3A_248 = vector.broadcast %div3A : f32 to vector<16xf32>
      %div3A_249 = arith.divf %div3A_248, %add3A_247 : vector<16xf32>
      %swap3A = arith.constant 0 : i32
      %swap3A_250 = arith.index_cast %swap3A : i32 to index
      %swap3A_251 = arith.index_cast %mul3A_12 : i32 to index
      %swap3A_252 = tpu.vector_load %arg6[%swap3A_250, %swap3A_251] {strides = array<i32>} : memref<2x256xf32, #tpu.memory_space<vmem>>, vector<1x16xf32>,
      %swap3A_253 = vector.shape_cast %swap3A_252 : vector<1x16xf32> to vector<16xf32>
      %swap3A_254 = vector.shape_cast %div3A_249 : vector<16xf32> to vector<1x16xf32>
      tpu.vector_store %arg6[%swap3A_250, %swap3A_251], %swap3A_254 {strides = array<i32>} : memref<2x256xf32, #tpu.memory_space<vmem>>, vector<1x16xf32>,
      %div3A_255 = arith.divf %exp3A, %add3A_247 : vector<16xf32>
      %swap3A_256 = arith.constant 1 : i32
      %swap3A_257 = arith.index_cast %swap3A_256 : i32 to index
      %swap3A_258 = arith.index_cast %mul3A_12 : i32 to index
      %swap3A_259 = tpu.vector_load %arg6[%swap3A_257, %swap3A_258] {strides = array<i32>} : memref<2x256xf32, #tpu.memory_space<vmem>>, vector<1x16xf32>,
      %swap3A_260 = vector.shape_cast %swap3A_259 : vector<1x16xf32> to vector<16xf32>
      %swap3A_261 = vector.shape_cast %div3A_255 : vector<16xf32> to vector<1x16xf32>
      tpu.vector_store %arg6[%swap3A_257, %swap3A_258], %swap3A_261 {strides = array<i32>} : memref<2x256xf32, #tpu.memory_space<vmem>>, vector<1x16xf32>,
      %swap3A_262 = arith.constant 0 : i32
      %swap3A_263 = arith.index_cast %swap3A_262 : i32 to index
      %swap3A_264 = arith.index_cast %mul3A_12 : i32 to index
      %swap3A_265 = tpu.vector_load %arg7[%swap3A_263, %swap3A_264] {strides = array<i32>} : memref<2x256xi32, #tpu.memory_space<vmem>>, vector<1x16xi32>,
      %swap3A_266 = vector.shape_cast %swap3A_265 : vector<1x16xi32> to vector<16xi32>
      %swap3A_267 = vector.shape_cast %select_n3A_244 : vector<16xi32> to vector<1x16xi32>
      tpu.vector_store %arg7[%swap3A_263, %swap3A_264], %swap3A_267 {strides = array<i32>} : memref<2x256xi32, #tpu.memory_space<vmem>>, vector<1x16xi32>,
      %swap3A_268 = arith.constant 1 : i32
      %swap3A_269 = arith.index_cast %swap3A_268 : i32 to index
      %swap3A_270 = arith.index_cast %mul3A_12 : i32 to index
      %swap3A_271 = tpu.vector_load %arg7[%swap3A_269, %swap3A_270] {strides = array<i32>} : memref<2x256xi32, #tpu.memory_space<vmem>>, vector<1x16xi32>,
      %swap3A_272 = vector.shape_cast %swap3A_271 : vector<1x16xi32> to vector<16xi32>
      %swap3A_273 = vector.shape_cast %select_n3A_242 : vector<16xi32> to vector<1x16xi32>
      tpu.vector_store %arg7[%swap3A_269, %swap3A_270], %swap3A_273 {strides = array<i32>} : memref<2x256xi32, #tpu.memory_space<vmem>>, vector<1x16xi32>,
      %scan3A_274 = arith.constant 0 : i32
      scf.yield %scan3A_274 : i32
    }
    %scan3A_8 = arith.constant 16 : i32
    "tpu.region"() ({
      %run_scoped3A = tpu.sem_alloc : memref<!tpu.dma_semaphore, #tpu.memory_space<semaphore_mem>>
      %dma_start3A = arith.constant 0 : i32
      %dma_start3A_9 = tpu.memref_slice %arg3[%dma_start3A, %mul3A_2] : memref<2x8192xf32, #tpu.memory_space<hbm>> -> memref<2x256xf32, #tpu.memory_space<hbm>>
      %dma_start3A_10 = arith.constant 0 : i32
      %dma_start3A_11 = tpu.memref_slice %arg3[%dma_start3A_10, %mul3A_2] : memref<2x8192xf32, #tpu.memory_space<hbm>> -> memref<2x256xf32, #tpu.memory_space<hbm>>
      tpu.enqueue_dma source(%arg6 : memref<2x256xf32, #tpu.memory_space<vmem>>) target(%dma_start3A_11 : memref<2x256xf32, #tpu.memory_space<hbm>>) target_semaphore(%run_scoped3A : memref<!tpu.dma_semaphore, #tpu.memory_space<semaphore_mem>>)
      %dma_wait3A = arith.constant 0 : i32
      %dma_wait3A_12 = tpu.memref_slice %arg3[%dma_wait3A, %mul3A_2] : memref<2x8192xf32, #tpu.memory_space<hbm>> -> memref<2x256xf32, #tpu.memory_space<hbm>>
      %dma_wait3A_13 = arith.constant 0 : i32
      %dma_wait3A_14 = tpu.memref_slice %arg3[%dma_wait3A_13, %mul3A_2] : memref<2x8192xf32, #tpu.memory_space<hbm>> -> memref<2x256xf32, #tpu.memory_space<hbm>>
      tpu.wait_dma2 semaphore(%run_scoped3A : memref<!tpu.dma_semaphore, #tpu.memory_space<semaphore_mem>>) src(%arg6 : memref<2x256xf32, #tpu.memory_space<vmem>>) dst(%dma_wait3A_14 : memref<2x256xf32, #tpu.memory_space<hbm>>)
      tpu.yield
    }) : () -> ()
    "tpu.region"() ({
      %run_scoped3A = tpu.sem_alloc : memref<!tpu.dma_semaphore, #tpu.memory_space<semaphore_mem>>
      %dma_start3A = arith.constant 0 : i32
      %dma_start3A_9 = tpu.memref_slice %arg4[%dma_start3A, %mul3A_2] : memref<2x8192xi32, #tpu.memory_space<hbm>> -> memref<2x256xi32, #tpu.memory_space<hbm>>
      %dma_start3A_10 = arith.constant 0 : i32
      %dma_start3A_11 = tpu.memref_slice %arg4[%dma_start3A_10, %mul3A_2] : memref<2x8192xi32, #tpu.memory_space<hbm>> -> memref<2x256xi32, #tpu.memory_space<hbm>>
      tpu.enqueue_dma source(%arg7 : memref<2x256xi32, #tpu.memory_space<vmem>>) target(%dma_start3A_11 : memref<2x256xi32, #tpu.memory_space<hbm>>) target_semaphore(%run_scoped3A : memref<!tpu.dma_semaphore, #tpu.memory_space<semaphore_mem>>)
      %dma_wait3A = arith.constant 0 : i32
      %dma_wait3A_12 = tpu.memref_slice %arg4[%dma_wait3A, %mul3A_2] : memref<2x8192xi32, #tpu.memory_space<hbm>> -> memref<2x256xi32, #tpu.memory_space<hbm>>
      %dma_wait3A_13 = arith.constant 0 : i32
      %dma_wait3A_14 = tpu.memref_slice %arg4[%dma_wait3A_13, %mul3A_2] : memref<2x8192xi32, #tpu.memory_space<hbm>> -> memref<2x256xi32, #tpu.memory_space<hbm>>
      tpu.wait_dma2 semaphore(%run_scoped3A : memref<!tpu.dma_semaphore, #tpu.memory_space<semaphore_mem>>) src(%arg7 : memref<2x256xi32, #tpu.memory_space<vmem>>) dst(%dma_wait3A_14 : memref<2x256xi32, #tpu.memory_space<hbm>>)
      tpu.yield
    }) : () -> ()
    return
  }
}

module attributes {stable_mosaic.version = 14 : i64} {
  func.func @_logits_body(%arg0: memref<16384x2048xf32, #tpu.memory_space<any>>, %arg1: memref<16x2048xf32, #tpu.memory_space<vmem>>, %arg2: memref<16x1xf32, #tpu.memory_space<vmem>>, %arg3: memref<16x8192xf32, #tpu.memory_space<vmem>>, %arg4: memref<4x512x2048xf32, #tpu.memory_space<vmem>>, %arg5: memref<4x2x!tpu.dma_semaphore, #tpu.memory_space<semaphore_mem>>) attributes {dimension_semantics = [], scalar_prefetch = 0 : i64, scratch_operands = 2 : i64, tpu.core_type = #tpu.core_type<tc>} {
    %get3A = arith.constant 0 : index
    %get3A_0 = arith.constant 0 : index
    %get3A_1 = vector.load %arg1[%get3A, %get3A_0] : memref<16x2048xf32, #tpu.memory_space<vmem>>, vector<16x2048xf32>
    %get3A_2 = arith.constant 0 : index
    %get3A_3 = arith.constant 0 : index
    %get3A_4 = vector.load %arg2[%get3A_2, %get3A_3] : memref<16x1xf32, #tpu.memory_space<vmem>>, vector<16x1xf32>
    %dma_start3A = arith.constant 0 : i32
    %dma_start3A_5 = arith.constant 0 : i32
    %dma_start3A_6 = arith.constant 0 : i32
    %dma_start3A_7 = tpu.memref_slice %arg5[%dma_start3A_5, %dma_start3A_6] : memref<4x2x!tpu.dma_semaphore, #tpu.memory_space<semaphore_mem>> -> memref<1x1x!tpu.dma_semaphore, #tpu.memory_space<semaphore_mem>>
    %dma_start3A_8 = tpu.memref_squeeze %dma_start3A_7 : memref<1x1x!tpu.dma_semaphore, #tpu.memory_space<semaphore_mem>> -> memref<!tpu.dma_semaphore, #tpu.memory_space<semaphore_mem>>
    %dma_start3A_9 = arith.constant 0 : i32
    %dma_start3A_10 = arith.constant 0 : i32
    %dma_start3A_11 = tpu.memref_slice %arg4[%dma_start3A, %dma_start3A_9, %dma_start3A_10] : memref<4x512x2048xf32, #tpu.memory_space<vmem>> -> memref<1x256x2048xf32, #tpu.memory_space<vmem>>
    %dma_start3A_12 = tpu.memref_squeeze %dma_start3A_11 : memref<1x256x2048xf32, #tpu.memory_space<vmem>> -> memref<256x2048xf32, #tpu.memory_space<vmem>>
    %dma_start3A_13 = arith.constant 0 : i32
    %dma_start3A_14 = arith.constant 0 : i32
    %dma_start3A_15 = tpu.memref_slice %arg0[%dma_start3A_13, %dma_start3A_14] : memref<16384x2048xf32, #tpu.memory_space<any>> -> memref<256x2048xf32, #tpu.memory_space<any>>
    tpu.enqueue_dma source(%dma_start3A_15 : memref<256x2048xf32, #tpu.memory_space<any>>) target(%dma_start3A_12 : memref<256x2048xf32, #tpu.memory_space<vmem>>) target_semaphore(%dma_start3A_8 : memref<!tpu.dma_semaphore, #tpu.memory_space<semaphore_mem>>)
    %dma_start3A_16 = arith.constant 0 : i32
    %dma_start3A_17 = arith.constant 0 : i32
    %dma_start3A_18 = arith.constant 1 : i32
    %dma_start3A_19 = tpu.memref_slice %arg5[%dma_start3A_17, %dma_start3A_18] : memref<4x2x!tpu.dma_semaphore, #tpu.memory_space<semaphore_mem>> -> memref<1x1x!tpu.dma_semaphore, #tpu.memory_space<semaphore_mem>>
    %dma_start3A_20 = tpu.memref_squeeze %dma_start3A_19 : memref<1x1x!tpu.dma_semaphore, #tpu.memory_space<semaphore_mem>> -> memref<!tpu.dma_semaphore, #tpu.memory_space<semaphore_mem>>
    %dma_start3A_21 = arith.constant 256 : i32
    %dma_start3A_22 = arith.constant 0 : i32
    %dma_start3A_23 = tpu.memref_slice %arg4[%dma_start3A_16, %dma_start3A_21, %dma_start3A_22] : memref<4x512x2048xf32, #tpu.memory_space<vmem>> -> memref<1x256x2048xf32, #tpu.memory_space<vmem>>
    %dma_start3A_24 = tpu.memref_squeeze %dma_start3A_23 : memref<1x256x2048xf32, #tpu.memory_space<vmem>> -> memref<256x2048xf32, #tpu.memory_space<vmem>>
    %dma_start3A_25 = arith.constant 256 : i32
    %dma_start3A_26 = arith.constant 0 : i32
    %dma_start3A_27 = tpu.memref_slice %arg0[%dma_start3A_25, %dma_start3A_26] : memref<16384x2048xf32, #tpu.memory_space<any>> -> memref<256x2048xf32, #tpu.memory_space<any>>
    tpu.enqueue_dma source(%dma_start3A_27 : memref<256x2048xf32, #tpu.memory_space<any>>) target(%dma_start3A_24 : memref<256x2048xf32, #tpu.memory_space<vmem>>) target_semaphore(%dma_start3A_20 : memref<!tpu.dma_semaphore, #tpu.memory_space<semaphore_mem>>)
    %dma_start3A_28 = arith.constant 1 : i32
    %dma_start3A_29 = arith.constant 1 : i32
    %dma_start3A_30 = arith.constant 0 : i32
    %dma_start3A_31 = tpu.memref_slice %arg5[%dma_start3A_29, %dma_start3A_30] : memref<4x2x!tpu.dma_semaphore, #tpu.memory_space<semaphore_mem>> -> memref<1x1x!tpu.dma_semaphore, #tpu.memory_space<semaphore_mem>>
    %dma_start3A_32 = tpu.memref_squeeze %dma_start3A_31 : memref<1x1x!tpu.dma_semaphore, #tpu.memory_space<semaphore_mem>> -> memref<!tpu.dma_semaphore, #tpu.memory_space<semaphore_mem>>
    %dma_start3A_33 = arith.constant 0 : i32
    %dma_start3A_34 = arith.constant 0 : i32
    %dma_start3A_35 = tpu.memref_slice %arg4[%dma_start3A_28, %dma_start3A_33, %dma_start3A_34] : memref<4x512x2048xf32, #tpu.memory_space<vmem>> -> memref<1x256x2048xf32, #tpu.memory_space<vmem>>
    %dma_start3A_36 = tpu.memref_squeeze %dma_start3A_35 : memref<1x256x2048xf32, #tpu.memory_space<vmem>> -> memref<256x2048xf32, #tpu.memory_space<vmem>>
    %dma_start3A_37 = arith.constant 512 : i32
    %dma_start3A_38 = arith.constant 0 : i32
    %dma_start3A_39 = tpu.memref_slice %arg0[%dma_start3A_37, %dma_start3A_38] : memref<16384x2048xf32, #tpu.memory_space<any>> -> memref<256x2048xf32, #tpu.memory_space<any>>
    tpu.enqueue_dma source(%dma_start3A_39 : memref<256x2048xf32, #tpu.memory_space<any>>) target(%dma_start3A_36 : memref<256x2048xf32, #tpu.memory_space<vmem>>) target_semaphore(%dma_start3A_32 : memref<!tpu.dma_semaphore, #tpu.memory_space<semaphore_mem>>)
    %dma_start3A_40 = arith.constant 1 : i32
    %dma_start3A_41 = arith.constant 1 : i32
    %dma_start3A_42 = arith.constant 1 : i32
    %dma_start3A_43 = tpu.memref_slice %arg5[%dma_start3A_41, %dma_start3A_42] : memref<4x2x!tpu.dma_semaphore, #tpu.memory_space<semaphore_mem>> -> memref<1x1x!tpu.dma_semaphore, #tpu.memory_space<semaphore_mem>>
    %dma_start3A_44 = tpu.memref_squeeze %dma_start3A_43 : memref<1x1x!tpu.dma_semaphore, #tpu.memory_space<semaphore_mem>> -> memref<!tpu.dma_semaphore, #tpu.memory_space<semaphore_mem>>
    %dma_start3A_45 = arith.constant 256 : i32
    %dma_start3A_46 = arith.constant 0 : i32
    %dma_start3A_47 = tpu.memref_slice %arg4[%dma_start3A_40, %dma_start3A_45, %dma_start3A_46] : memref<4x512x2048xf32, #tpu.memory_space<vmem>> -> memref<1x256x2048xf32, #tpu.memory_space<vmem>>
    %dma_start3A_48 = tpu.memref_squeeze %dma_start3A_47 : memref<1x256x2048xf32, #tpu.memory_space<vmem>> -> memref<256x2048xf32, #tpu.memory_space<vmem>>
    %dma_start3A_49 = arith.constant 768 : i32
    %dma_start3A_50 = arith.constant 0 : i32
    %dma_start3A_51 = tpu.memref_slice %arg0[%dma_start3A_49, %dma_start3A_50] : memref<16384x2048xf32, #tpu.memory_space<any>> -> memref<256x2048xf32, #tpu.memory_space<any>>
    tpu.enqueue_dma source(%dma_start3A_51 : memref<256x2048xf32, #tpu.memory_space<any>>) target(%dma_start3A_48 : memref<256x2048xf32, #tpu.memory_space<vmem>>) target_semaphore(%dma_start3A_44 : memref<!tpu.dma_semaphore, #tpu.memory_space<semaphore_mem>>)
    %dma_start3A_52 = arith.constant 2 : i32
    %dma_start3A_53 = arith.constant 2 : i32
    %dma_start3A_54 = arith.constant 0 : i32
    %dma_start3A_55 = tpu.memref_slice %arg5[%dma_start3A_53, %dma_start3A_54] : memref<4x2x!tpu.dma_semaphore, #tpu.memory_space<semaphore_mem>> -> memref<1x1x!tpu.dma_semaphore, #tpu.memory_space<semaphore_mem>>
    %dma_start3A_56 = tpu.memref_squeeze %dma_start3A_55 : memref<1x1x!tpu.dma_semaphore, #tpu.memory_space<semaphore_mem>> -> memref<!tpu.dma_semaphore, #tpu.memory_space<semaphore_mem>>
    %dma_start3A_57 = arith.constant 0 : i32
    %dma_start3A_58 = arith.constant 0 : i32
    %dma_start3A_59 = tpu.memref_slice %arg4[%dma_start3A_52, %dma_start3A_57, %dma_start3A_58] : memref<4x512x2048xf32, #tpu.memory_space<vmem>> -> memref<1x256x2048xf32, #tpu.memory_space<vmem>>
    %dma_start3A_60 = tpu.memref_squeeze %dma_start3A_59 : memref<1x256x2048xf32, #tpu.memory_space<vmem>> -> memref<256x2048xf32, #tpu.memory_space<vmem>>
    %dma_start3A_61 = arith.constant 1024 : i32
    %dma_start3A_62 = arith.constant 0 : i32
    %dma_start3A_63 = tpu.memref_slice %arg0[%dma_start3A_61, %dma_start3A_62] : memref<16384x2048xf32, #tpu.memory_space<any>> -> memref<256x2048xf32, #tpu.memory_space<any>>
    tpu.enqueue_dma source(%dma_start3A_63 : memref<256x2048xf32, #tpu.memory_space<any>>) target(%dma_start3A_60 : memref<256x2048xf32, #tpu.memory_space<vmem>>) target_semaphore(%dma_start3A_56 : memref<!tpu.dma_semaphore, #tpu.memory_space<semaphore_mem>>)
    %dma_start3A_64 = arith.constant 2 : i32
    %dma_start3A_65 = arith.constant 2 : i32
    %dma_start3A_66 = arith.constant 1 : i32
    %dma_start3A_67 = tpu.memref_slice %arg5[%dma_start3A_65, %dma_start3A_66] : memref<4x2x!tpu.dma_semaphore, #tpu.memory_space<semaphore_mem>> -> memref<1x1x!tpu.dma_semaphore, #tpu.memory_space<semaphore_mem>>
    %dma_start3A_68 = tpu.memref_squeeze %dma_start3A_67 : memref<1x1x!tpu.dma_semaphore, #tpu.memory_space<semaphore_mem>> -> memref<!tpu.dma_semaphore, #tpu.memory_space<semaphore_mem>>
    %dma_start3A_69 = arith.constant 256 : i32
    %dma_start3A_70 = arith.constant 0 : i32
    %dma_start3A_71 = tpu.memref_slice %arg4[%dma_start3A_64, %dma_start3A_69, %dma_start3A_70] : memref<4x512x2048xf32, #tpu.memory_space<vmem>> -> memref<1x256x2048xf32, #tpu.memory_space<vmem>>
    %dma_start3A_72 = tpu.memref_squeeze %dma_start3A_71 : memref<1x256x2048xf32, #tpu.memory_space<vmem>> -> memref<256x2048xf32, #tpu.memory_space<vmem>>
    %dma_start3A_73 = arith.constant 1280 : i32
    %dma_start3A_74 = arith.constant 0 : i32
    %dma_start3A_75 = tpu.memref_slice %arg0[%dma_start3A_73, %dma_start3A_74] : memref<16384x2048xf32, #tpu.memory_space<any>> -> memref<256x2048xf32, #tpu.memory_space<any>>
    tpu.enqueue_dma source(%dma_start3A_75 : memref<256x2048xf32, #tpu.memory_space<any>>) target(%dma_start3A_72 : memref<256x2048xf32, #tpu.memory_space<vmem>>) target_semaphore(%dma_start3A_68 : memref<!tpu.dma_semaphore, #tpu.memory_space<semaphore_mem>>)
    %dma_start3A_76 = arith.constant 3 : i32
    %dma_start3A_77 = arith.constant 3 : i32
    %dma_start3A_78 = arith.constant 0 : i32
    %dma_start3A_79 = tpu.memref_slice %arg5[%dma_start3A_77, %dma_start3A_78] : memref<4x2x!tpu.dma_semaphore, #tpu.memory_space<semaphore_mem>> -> memref<1x1x!tpu.dma_semaphore, #tpu.memory_space<semaphore_mem>>
    %dma_start3A_80 = tpu.memref_squeeze %dma_start3A_79 : memref<1x1x!tpu.dma_semaphore, #tpu.memory_space<semaphore_mem>> -> memref<!tpu.dma_semaphore, #tpu.memory_space<semaphore_mem>>
    %dma_start3A_81 = arith.constant 0 : i32
    %dma_start3A_82 = arith.constant 0 : i32
    %dma_start3A_83 = tpu.memref_slice %arg4[%dma_start3A_76, %dma_start3A_81, %dma_start3A_82] : memref<4x512x2048xf32, #tpu.memory_space<vmem>> -> memref<1x256x2048xf32, #tpu.memory_space<vmem>>
    %dma_start3A_84 = tpu.memref_squeeze %dma_start3A_83 : memref<1x256x2048xf32, #tpu.memory_space<vmem>> -> memref<256x2048xf32, #tpu.memory_space<vmem>>
    %dma_start3A_85 = arith.constant 1536 : i32
    %dma_start3A_86 = arith.constant 0 : i32
    %dma_start3A_87 = tpu.memref_slice %arg0[%dma_start3A_85, %dma_start3A_86] : memref<16384x2048xf32, #tpu.memory_space<any>> -> memref<256x2048xf32, #tpu.memory_space<any>>
    tpu.enqueue_dma source(%dma_start3A_87 : memref<256x2048xf32, #tpu.memory_space<any>>) target(%dma_start3A_84 : memref<256x2048xf32, #tpu.memory_space<vmem>>) target_semaphore(%dma_start3A_80 : memref<!tpu.dma_semaphore, #tpu.memory_space<semaphore_mem>>)
    %dma_start3A_88 = arith.constant 3 : i32
    %dma_start3A_89 = arith.constant 3 : i32
    %dma_start3A_90 = arith.constant 1 : i32
    %dma_start3A_91 = tpu.memref_slice %arg5[%dma_start3A_89, %dma_start3A_90] : memref<4x2x!tpu.dma_semaphore, #tpu.memory_space<semaphore_mem>> -> memref<1x1x!tpu.dma_semaphore, #tpu.memory_space<semaphore_mem>>
    %dma_start3A_92 = tpu.memref_squeeze %dma_start3A_91 : memref<1x1x!tpu.dma_semaphore, #tpu.memory_space<semaphore_mem>> -> memref<!tpu.dma_semaphore, #tpu.memory_space<semaphore_mem>>
    %dma_start3A_93 = arith.constant 256 : i32
    %dma_start3A_94 = arith.constant 0 : i32
    %dma_start3A_95 = tpu.memref_slice %arg4[%dma_start3A_88, %dma_start3A_93, %dma_start3A_94] : memref<4x512x2048xf32, #tpu.memory_space<vmem>> -> memref<1x256x2048xf32, #tpu.memory_space<vmem>>
    %dma_start3A_96 = tpu.memref_squeeze %dma_start3A_95 : memref<1x256x2048xf32, #tpu.memory_space<vmem>> -> memref<256x2048xf32, #tpu.memory_space<vmem>>
    %dma_start3A_97 = arith.constant 1792 : i32
    %dma_start3A_98 = arith.constant 0 : i32
    %dma_start3A_99 = tpu.memref_slice %arg0[%dma_start3A_97, %dma_start3A_98] : memref<16384x2048xf32, #tpu.memory_space<any>> -> memref<256x2048xf32, #tpu.memory_space<any>>
    tpu.enqueue_dma source(%dma_start3A_99 : memref<256x2048xf32, #tpu.memory_space<any>>) target(%dma_start3A_96 : memref<256x2048xf32, #tpu.memory_space<vmem>>) target_semaphore(%dma_start3A_92 : memref<!tpu.dma_semaphore, #tpu.memory_space<semaphore_mem>>)
    %scan3A = arith.constant 0 : i32
    %scan3A_100 = arith.constant 16 : i32
    %scan3A_101 = arith.addi %scan3A, %scan3A_100 : i32
    %scan3A_102 = arith.constant 1 : i32
    scf.for %scan3A_104 = %scan3A to %scan3A_101 step %scan3A_102  : i32 {
      %rem3A = arith.constant 4 : i32
      %rem3A_105 = arith.remsi %scan3A_104, %rem3A : i32
      %mul3A = arith.constant 512 : i32
      %mul3A_106 = arith.muli %scan3A_104, %mul3A : i32
      %add3A = arith.constant 0 : i32
      %add3A_107 = arith.addi %add3A, %mul3A_106 : i32
      %dma_wait3A = arith.constant 0 : i32
      %dma_wait3A_108 = tpu.memref_slice %arg5[%rem3A_105, %dma_wait3A] : memref<4x2x!tpu.dma_semaphore, #tpu.memory_space<semaphore_mem>> -> memref<1x1x!tpu.dma_semaphore, #tpu.memory_space<semaphore_mem>>
      %dma_wait3A_109 = tpu.memref_squeeze %dma_wait3A_108 : memref<1x1x!tpu.dma_semaphore, #tpu.memory_space<semaphore_mem>> -> memref<!tpu.dma_semaphore, #tpu.memory_space<semaphore_mem>>
      %dma_wait3A_110 = arith.constant 0 : i32
      %dma_wait3A_111 = arith.constant 0 : i32
      %dma_wait3A_112 = tpu.memref_slice %arg4[%rem3A_105, %dma_wait3A_110, %dma_wait3A_111] : memref<4x512x2048xf32, #tpu.memory_space<vmem>> -> memref<1x256x2048xf32, #tpu.memory_space<vmem>>
      %dma_wait3A_113 = tpu.memref_squeeze %dma_wait3A_112 : memref<1x256x2048xf32, #tpu.memory_space<vmem>> -> memref<256x2048xf32, #tpu.memory_space<vmem>>
      %dma_wait3A_114 = arith.constant 0 : i32
      %dma_wait3A_115 = tpu.memref_slice %arg0[%add3A_107, %dma_wait3A_114] : memref<16384x2048xf32, #tpu.memory_space<any>> -> memref<256x2048xf32, #tpu.memory_space<any>>
      tpu.wait_dma2 semaphore(%dma_wait3A_109 : memref<!tpu.dma_semaphore, #tpu.memory_space<semaphore_mem>>) src(%dma_wait3A_115 : memref<256x2048xf32, #tpu.memory_space<any>>) dst(%dma_wait3A_113 : memref<256x2048xf32, #tpu.memory_space<vmem>>)
      %mul3A_116 = arith.constant 512 : i32
      %mul3A_117 = arith.muli %scan3A_104, %mul3A_116 : i32
      %add3A_118 = arith.constant 0 : i32
      %add3A_119 = arith.addi %add3A_118, %mul3A_117 : i32
      %add3A_120 = arith.constant 256 : i32
      %add3A_121 = arith.addi %add3A_119, %add3A_120 : i32
      %dma_wait3A_122 = arith.constant 1 : i32
      %dma_wait3A_123 = tpu.memref_slice %arg5[%rem3A_105, %dma_wait3A_122] : memref<4x2x!tpu.dma_semaphore, #tpu.memory_space<semaphore_mem>> -> memref<1x1x!tpu.dma_semaphore, #tpu.memory_space<semaphore_mem>>
      %dma_wait3A_124 = tpu.memref_squeeze %dma_wait3A_123 : memref<1x1x!tpu.dma_semaphore, #tpu.memory_space<semaphore_mem>> -> memref<!tpu.dma_semaphore, #tpu.memory_space<semaphore_mem>>
      %dma_wait3A_125 = arith.constant 256 : i32
      %dma_wait3A_126 = arith.constant 0 : i32
      %dma_wait3A_127 = tpu.memref_slice %arg4[%rem3A_105, %dma_wait3A_125, %dma_wait3A_126] : memref<4x512x2048xf32, #tpu.memory_space<vmem>> -> memref<1x256x2048xf32, #tpu.memory_space<vmem>>
      %dma_wait3A_128 = tpu.memref_squeeze %dma_wait3A_127 : memref<1x256x2048xf32, #tpu.memory_space<vmem>> -> memref<256x2048xf32, #tpu.memory_space<vmem>>
      %dma_wait3A_129 = arith.constant 0 : i32
      %dma_wait3A_130 = tpu.memref_slice %arg0[%add3A_121, %dma_wait3A_129] : memref<16384x2048xf32, #tpu.memory_space<any>> -> memref<256x2048xf32, #tpu.memory_space<any>>
      tpu.wait_dma2 semaphore(%dma_wait3A_124 : memref<!tpu.dma_semaphore, #tpu.memory_space<semaphore_mem>>) src(%dma_wait3A_130 : memref<256x2048xf32, #tpu.memory_space<any>>) dst(%dma_wait3A_128 : memref<256x2048xf32, #tpu.memory_space<vmem>>)
      %get3A_131 = arith.index_cast %rem3A_105 : i32 to index
      %get3A_132 = arith.constant 0 : index
      %get3A_133 = arith.constant 0 : index
      %get3A_134 = vector.load %arg4[%get3A_131, %get3A_132, %get3A_133] : memref<4x512x2048xf32, #tpu.memory_space<vmem>>, vector<1x512x2048xf32>
      %get3A_135 = vector.shape_cast %get3A_134 : vector<1x512x2048xf32> to vector<512x2048xf32>
      %dot_general3A = arith.constant dense<0.000000e+00> : vector<16x512xf32>
      %dot_general3A_136 = tpu.matmul %get3A_1, %get3A_135, %dot_general3A {dimension_numbers = #tpu.dot_dimension_numbers<[1], [1], [0], [0], [0, 0, 1, 0], [], []>, transpose_lhs_hint = false} : vector<16x2048xf32>, vector<512x2048xf32>, vector<16x512xf32> -> vector<16x512xf32>
      %add3A_137 = vector.broadcast %get3A_4 : vector<16x1xf32> to vector<16x512xf32>
      %add3A_138 = arith.addf %dot_general3A_136, %add3A_137 : vector<16x512xf32>
      %mul3A_139 = arith.constant 512 : i32
      %mul3A_140 = arith.muli %scan3A_104, %mul3A_139 : i32
      %swap3A = arith.constant 0 : index
      %swap3A_141 = arith.index_cast %mul3A_140 : i32 to index
      %swap3A_142 = vector.load %arg3[%swap3A, %swap3A_141] : memref<16x8192xf32, #tpu.memory_space<vmem>>, vector<16x512xf32>
      tpu.vector_store %arg3[%swap3A, %swap3A_141], %add3A_138 {strides = array<i32>} : memref<16x8192xf32, #tpu.memory_space<vmem>>, vector<16x512xf32>,
      %add3A_143 = arith.constant 4 : i32
      %add3A_144 = arith.addi %scan3A_104, %add3A_143 : i32
      %lt3A = arith.constant 16 : i32
      %lt3A_145 = arith.cmpi slt, %add3A_144, %lt3A : i32
      %convert_element_type3A = arith.extui %lt3A_145 : i1 to i32
      %cond3A = arith.constant 0 : i32
      %cond3A_146 = arith.cmpi ne, %convert_element_type3A, %cond3A : i32
      scf.if %cond3A_146 {
        %add3A_147 = arith.constant 4 : i32
        %add3A_148 = arith.addi %scan3A_104, %add3A_147 : i32
        %mul3A_149 = arith.constant 512 : i32
        %mul3A_150 = arith.muli %add3A_148, %mul3A_149 : i32
        %add3A_151 = arith.constant 0 : i32
        %add3A_152 = arith.addi %add3A_151, %mul3A_150 : i32
        %dma_start3A_153 = arith.constant 0 : i32
        %dma_start3A_154 = tpu.memref_slice %arg5[%rem3A_105, %dma_start3A_153] : memref<4x2x!tpu.dma_semaphore, #tpu.memory_space<semaphore_mem>> -> memref<1x1x!tpu.dma_semaphore, #tpu.memory_space<semaphore_mem>>
        %dma_start3A_155 = tpu.memref_squeeze %dma_start3A_154 : memref<1x1x!tpu.dma_semaphore, #tpu.memory_space<semaphore_mem>> -> memref<!tpu.dma_semaphore, #tpu.memory_space<semaphore_mem>>
        %dma_start3A_156 = arith.constant 0 : i32
        %dma_start3A_157 = arith.constant 0 : i32
        %dma_start3A_158 = tpu.memref_slice %arg4[%rem3A_105, %dma_start3A_156, %dma_start3A_157] : memref<4x512x2048xf32, #tpu.memory_space<vmem>> -> memref<1x256x2048xf32, #tpu.memory_space<vmem>>
        %dma_start3A_159 = tpu.memref_squeeze %dma_start3A_158 : memref<1x256x2048xf32, #tpu.memory_space<vmem>> -> memref<256x2048xf32, #tpu.memory_space<vmem>>
        %dma_start3A_160 = arith.constant 0 : i32
        %dma_start3A_161 = tpu.memref_slice %arg0[%add3A_152, %dma_start3A_160] : memref<16384x2048xf32, #tpu.memory_space<any>> -> memref<256x2048xf32, #tpu.memory_space<any>>
        tpu.enqueue_dma source(%dma_start3A_161 : memref<256x2048xf32, #tpu.memory_space<any>>) target(%dma_start3A_159 : memref<256x2048xf32, #tpu.memory_space<vmem>>) target_semaphore(%dma_start3A_155 : memref<!tpu.dma_semaphore, #tpu.memory_space<semaphore_mem>>)
        %mul3A_162 = arith.constant 512 : i32
        %mul3A_163 = arith.muli %add3A_148, %mul3A_162 : i32
        %add3A_164 = arith.constant 0 : i32
        %add3A_165 = arith.addi %add3A_164, %mul3A_163 : i32
        %add3A_166 = arith.constant 256 : i32
        %add3A_167 = arith.addi %add3A_165, %add3A_166 : i32
        %dma_start3A_168 = arith.constant 1 : i32
        %dma_start3A_169 = tpu.memref_slice %arg5[%rem3A_105, %dma_start3A_168] : memref<4x2x!tpu.dma_semaphore, #tpu.memory_space<semaphore_mem>> -> memref<1x1x!tpu.dma_semaphore, #tpu.memory_space<semaphore_mem>>
        %dma_start3A_170 = tpu.memref_squeeze %dma_start3A_169 : memref<1x1x!tpu.dma_semaphore, #tpu.memory_space<semaphore_mem>> -> memref<!tpu.dma_semaphore, #tpu.memory_space<semaphore_mem>>
        %dma_start3A_171 = arith.constant 256 : i32
        %dma_start3A_172 = arith.constant 0 : i32
        %dma_start3A_173 = tpu.memref_slice %arg4[%rem3A_105, %dma_start3A_171, %dma_start3A_172] : memref<4x512x2048xf32, #tpu.memory_space<vmem>> -> memref<1x256x2048xf32, #tpu.memory_space<vmem>>
        %dma_start3A_174 = tpu.memref_squeeze %dma_start3A_173 : memref<1x256x2048xf32, #tpu.memory_space<vmem>> -> memref<256x2048xf32, #tpu.memory_space<vmem>>
        %dma_start3A_175 = arith.constant 0 : i32
        %dma_start3A_176 = tpu.memref_slice %arg0[%add3A_167, %dma_start3A_175] : memref<16384x2048xf32, #tpu.memory_space<any>> -> memref<256x2048xf32, #tpu.memory_space<any>>
        tpu.enqueue_dma source(%dma_start3A_176 : memref<256x2048xf32, #tpu.memory_space<any>>) target(%dma_start3A_174 : memref<256x2048xf32, #tpu.memory_space<vmem>>) target_semaphore(%dma_start3A_170 : memref<!tpu.dma_semaphore, #tpu.memory_space<semaphore_mem>>)
      } else {
      }
    }
    %scan3A_103 = arith.constant 16 : i32
    return
  }
}

module attributes {stable_mosaic.version = 14 : i64} {
  func.func @_logits_body(%arg0: memref<16384x2048xf32, #tpu.memory_space<any>>, %arg1: memref<16x2048xf32, #tpu.memory_space<vmem>>, %arg2: memref<16x1xf32, #tpu.memory_space<vmem>>, %arg3: memref<16x8192xf32, #tpu.memory_space<vmem>>, %arg4: memref<4x512x2048xf32, #tpu.memory_space<vmem>>, %arg5: memref<4x2x!tpu.dma_semaphore, #tpu.memory_space<semaphore_mem>>) attributes {dimension_semantics = [], scalar_prefetch = 0 : i64, scratch_operands = 2 : i64, tpu.core_type = #tpu.core_type<tc>} {
    %get3A = arith.constant 0 : index
    %get3A_0 = arith.constant 0 : index
    %get3A_1 = vector.load %arg1[%get3A, %get3A_0] : memref<16x2048xf32, #tpu.memory_space<vmem>>, vector<16x2048xf32>
    %get3A_2 = arith.constant 0 : index
    %get3A_3 = arith.constant 0 : index
    %get3A_4 = vector.load %arg2[%get3A_2, %get3A_3] : memref<16x1xf32, #tpu.memory_space<vmem>>, vector<16x1xf32>
    %dma_start3A = arith.constant 0 : i32
    %dma_start3A_5 = arith.constant 0 : i32
    %dma_start3A_6 = arith.constant 0 : i32
    %dma_start3A_7 = tpu.memref_slice %arg5[%dma_start3A_5, %dma_start3A_6] : memref<4x2x!tpu.dma_semaphore, #tpu.memory_space<semaphore_mem>> -> memref<1x1x!tpu.dma_semaphore, #tpu.memory_space<semaphore_mem>>
    %dma_start3A_8 = tpu.memref_squeeze %dma_start3A_7 : memref<1x1x!tpu.dma_semaphore, #tpu.memory_space<semaphore_mem>> -> memref<!tpu.dma_semaphore, #tpu.memory_space<semaphore_mem>>
    %dma_start3A_9 = arith.constant 0 : i32
    %dma_start3A_10 = arith.constant 0 : i32
    %dma_start3A_11 = tpu.memref_slice %arg4[%dma_start3A, %dma_start3A_9, %dma_start3A_10] : memref<4x512x2048xf32, #tpu.memory_space<vmem>> -> memref<1x256x2048xf32, #tpu.memory_space<vmem>>
    %dma_start3A_12 = tpu.memref_squeeze %dma_start3A_11 : memref<1x256x2048xf32, #tpu.memory_space<vmem>> -> memref<256x2048xf32, #tpu.memory_space<vmem>>
    %dma_start3A_13 = arith.constant 8192 : i32
    %dma_start3A_14 = arith.constant 0 : i32
    %dma_start3A_15 = tpu.memref_slice %arg0[%dma_start3A_13, %dma_start3A_14] : memref<16384x2048xf32, #tpu.memory_space<any>> -> memref<256x2048xf32, #tpu.memory_space<any>>
    tpu.enqueue_dma source(%dma_start3A_15 : memref<256x2048xf32, #tpu.memory_space<any>>) target(%dma_start3A_12 : memref<256x2048xf32, #tpu.memory_space<vmem>>) target_semaphore(%dma_start3A_8 : memref<!tpu.dma_semaphore, #tpu.memory_space<semaphore_mem>>)
    %dma_start3A_16 = arith.constant 0 : i32
    %dma_start3A_17 = arith.constant 0 : i32
    %dma_start3A_18 = arith.constant 1 : i32
    %dma_start3A_19 = tpu.memref_slice %arg5[%dma_start3A_17, %dma_start3A_18] : memref<4x2x!tpu.dma_semaphore, #tpu.memory_space<semaphore_mem>> -> memref<1x1x!tpu.dma_semaphore, #tpu.memory_space<semaphore_mem>>
    %dma_start3A_20 = tpu.memref_squeeze %dma_start3A_19 : memref<1x1x!tpu.dma_semaphore, #tpu.memory_space<semaphore_mem>> -> memref<!tpu.dma_semaphore, #tpu.memory_space<semaphore_mem>>
    %dma_start3A_21 = arith.constant 256 : i32
    %dma_start3A_22 = arith.constant 0 : i32
    %dma_start3A_23 = tpu.memref_slice %arg4[%dma_start3A_16, %dma_start3A_21, %dma_start3A_22] : memref<4x512x2048xf32, #tpu.memory_space<vmem>> -> memref<1x256x2048xf32, #tpu.memory_space<vmem>>
    %dma_start3A_24 = tpu.memref_squeeze %dma_start3A_23 : memref<1x256x2048xf32, #tpu.memory_space<vmem>> -> memref<256x2048xf32, #tpu.memory_space<vmem>>
    %dma_start3A_25 = arith.constant 8448 : i32
    %dma_start3A_26 = arith.constant 0 : i32
    %dma_start3A_27 = tpu.memref_slice %arg0[%dma_start3A_25, %dma_start3A_26] : memref<16384x2048xf32, #tpu.memory_space<any>> -> memref<256x2048xf32, #tpu.memory_space<any>>
    tpu.enqueue_dma source(%dma_start3A_27 : memref<256x2048xf32, #tpu.memory_space<any>>) target(%dma_start3A_24 : memref<256x2048xf32, #tpu.memory_space<vmem>>) target_semaphore(%dma_start3A_20 : memref<!tpu.dma_semaphore, #tpu.memory_space<semaphore_mem>>)
    %dma_start3A_28 = arith.constant 1 : i32
    %dma_start3A_29 = arith.constant 1 : i32
    %dma_start3A_30 = arith.constant 0 : i32
    %dma_start3A_31 = tpu.memref_slice %arg5[%dma_start3A_29, %dma_start3A_30] : memref<4x2x!tpu.dma_semaphore, #tpu.memory_space<semaphore_mem>> -> memref<1x1x!tpu.dma_semaphore, #tpu.memory_space<semaphore_mem>>
    %dma_start3A_32 = tpu.memref_squeeze %dma_start3A_31 : memref<1x1x!tpu.dma_semaphore, #tpu.memory_space<semaphore_mem>> -> memref<!tpu.dma_semaphore, #tpu.memory_space<semaphore_mem>>
    %dma_start3A_33 = arith.constant 0 : i32
    %dma_start3A_34 = arith.constant 0 : i32
    %dma_start3A_35 = tpu.memref_slice %arg4[%dma_start3A_28, %dma_start3A_33, %dma_start3A_34] : memref<4x512x2048xf32, #tpu.memory_space<vmem>> -> memref<1x256x2048xf32, #tpu.memory_space<vmem>>
    %dma_start3A_36 = tpu.memref_squeeze %dma_start3A_35 : memref<1x256x2048xf32, #tpu.memory_space<vmem>> -> memref<256x2048xf32, #tpu.memory_space<vmem>>
    %dma_start3A_37 = arith.constant 8704 : i32
    %dma_start3A_38 = arith.constant 0 : i32
    %dma_start3A_39 = tpu.memref_slice %arg0[%dma_start3A_37, %dma_start3A_38] : memref<16384x2048xf32, #tpu.memory_space<any>> -> memref<256x2048xf32, #tpu.memory_space<any>>
    tpu.enqueue_dma source(%dma_start3A_39 : memref<256x2048xf32, #tpu.memory_space<any>>) target(%dma_start3A_36 : memref<256x2048xf32, #tpu.memory_space<vmem>>) target_semaphore(%dma_start3A_32 : memref<!tpu.dma_semaphore, #tpu.memory_space<semaphore_mem>>)
    %dma_start3A_40 = arith.constant 1 : i32
    %dma_start3A_41 = arith.constant 1 : i32
    %dma_start3A_42 = arith.constant 1 : i32
    %dma_start3A_43 = tpu.memref_slice %arg5[%dma_start3A_41, %dma_start3A_42] : memref<4x2x!tpu.dma_semaphore, #tpu.memory_space<semaphore_mem>> -> memref<1x1x!tpu.dma_semaphore, #tpu.memory_space<semaphore_mem>>
    %dma_start3A_44 = tpu.memref_squeeze %dma_start3A_43 : memref<1x1x!tpu.dma_semaphore, #tpu.memory_space<semaphore_mem>> -> memref<!tpu.dma_semaphore, #tpu.memory_space<semaphore_mem>>
    %dma_start3A_45 = arith.constant 256 : i32
    %dma_start3A_46 = arith.constant 0 : i32
    %dma_start3A_47 = tpu.memref_slice %arg4[%dma_start3A_40, %dma_start3A_45, %dma_start3A_46] : memref<4x512x2048xf32, #tpu.memory_space<vmem>> -> memref<1x256x2048xf32, #tpu.memory_space<vmem>>
    %dma_start3A_48 = tpu.memref_squeeze %dma_start3A_47 : memref<1x256x2048xf32, #tpu.memory_space<vmem>> -> memref<256x2048xf32, #tpu.memory_space<vmem>>
    %dma_start3A_49 = arith.constant 8960 : i32
    %dma_start3A_50 = arith.constant 0 : i32
    %dma_start3A_51 = tpu.memref_slice %arg0[%dma_start3A_49, %dma_start3A_50] : memref<16384x2048xf32, #tpu.memory_space<any>> -> memref<256x2048xf32, #tpu.memory_space<any>>
    tpu.enqueue_dma source(%dma_start3A_51 : memref<256x2048xf32, #tpu.memory_space<any>>) target(%dma_start3A_48 : memref<256x2048xf32, #tpu.memory_space<vmem>>) target_semaphore(%dma_start3A_44 : memref<!tpu.dma_semaphore, #tpu.memory_space<semaphore_mem>>)
    %dma_start3A_52 = arith.constant 2 : i32
    %dma_start3A_53 = arith.constant 2 : i32
    %dma_start3A_54 = arith.constant 0 : i32
    %dma_start3A_55 = tpu.memref_slice %arg5[%dma_start3A_53, %dma_start3A_54] : memref<4x2x!tpu.dma_semaphore, #tpu.memory_space<semaphore_mem>> -> memref<1x1x!tpu.dma_semaphore, #tpu.memory_space<semaphore_mem>>
    %dma_start3A_56 = tpu.memref_squeeze %dma_start3A_55 : memref<1x1x!tpu.dma_semaphore, #tpu.memory_space<semaphore_mem>> -> memref<!tpu.dma_semaphore, #tpu.memory_space<semaphore_mem>>
    %dma_start3A_57 = arith.constant 0 : i32
    %dma_start3A_58 = arith.constant 0 : i32
    %dma_start3A_59 = tpu.memref_slice %arg4[%dma_start3A_52, %dma_start3A_57, %dma_start3A_58] : memref<4x512x2048xf32, #tpu.memory_space<vmem>> -> memref<1x256x2048xf32, #tpu.memory_space<vmem>>
    %dma_start3A_60 = tpu.memref_squeeze %dma_start3A_59 : memref<1x256x2048xf32, #tpu.memory_space<vmem>> -> memref<256x2048xf32, #tpu.memory_space<vmem>>
    %dma_start3A_61 = arith.constant 9216 : i32
    %dma_start3A_62 = arith.constant 0 : i32
    %dma_start3A_63 = tpu.memref_slice %arg0[%dma_start3A_61, %dma_start3A_62] : memref<16384x2048xf32, #tpu.memory_space<any>> -> memref<256x2048xf32, #tpu.memory_space<any>>
    tpu.enqueue_dma source(%dma_start3A_63 : memref<256x2048xf32, #tpu.memory_space<any>>) target(%dma_start3A_60 : memref<256x2048xf32, #tpu.memory_space<vmem>>) target_semaphore(%dma_start3A_56 : memref<!tpu.dma_semaphore, #tpu.memory_space<semaphore_mem>>)
    %dma_start3A_64 = arith.constant 2 : i32
    %dma_start3A_65 = arith.constant 2 : i32
    %dma_start3A_66 = arith.constant 1 : i32
    %dma_start3A_67 = tpu.memref_slice %arg5[%dma_start3A_65, %dma_start3A_66] : memref<4x2x!tpu.dma_semaphore, #tpu.memory_space<semaphore_mem>> -> memref<1x1x!tpu.dma_semaphore, #tpu.memory_space<semaphore_mem>>
    %dma_start3A_68 = tpu.memref_squeeze %dma_start3A_67 : memref<1x1x!tpu.dma_semaphore, #tpu.memory_space<semaphore_mem>> -> memref<!tpu.dma_semaphore, #tpu.memory_space<semaphore_mem>>
    %dma_start3A_69 = arith.constant 256 : i32
    %dma_start3A_70 = arith.constant 0 : i32
    %dma_start3A_71 = tpu.memref_slice %arg4[%dma_start3A_64, %dma_start3A_69, %dma_start3A_70] : memref<4x512x2048xf32, #tpu.memory_space<vmem>> -> memref<1x256x2048xf32, #tpu.memory_space<vmem>>
    %dma_start3A_72 = tpu.memref_squeeze %dma_start3A_71 : memref<1x256x2048xf32, #tpu.memory_space<vmem>> -> memref<256x2048xf32, #tpu.memory_space<vmem>>
    %dma_start3A_73 = arith.constant 9472 : i32
    %dma_start3A_74 = arith.constant 0 : i32
    %dma_start3A_75 = tpu.memref_slice %arg0[%dma_start3A_73, %dma_start3A_74] : memref<16384x2048xf32, #tpu.memory_space<any>> -> memref<256x2048xf32, #tpu.memory_space<any>>
    tpu.enqueue_dma source(%dma_start3A_75 : memref<256x2048xf32, #tpu.memory_space<any>>) target(%dma_start3A_72 : memref<256x2048xf32, #tpu.memory_space<vmem>>) target_semaphore(%dma_start3A_68 : memref<!tpu.dma_semaphore, #tpu.memory_space<semaphore_mem>>)
    %dma_start3A_76 = arith.constant 3 : i32
    %dma_start3A_77 = arith.constant 3 : i32
    %dma_start3A_78 = arith.constant 0 : i32
    %dma_start3A_79 = tpu.memref_slice %arg5[%dma_start3A_77, %dma_start3A_78] : memref<4x2x!tpu.dma_semaphore, #tpu.memory_space<semaphore_mem>> -> memref<1x1x!tpu.dma_semaphore, #tpu.memory_space<semaphore_mem>>
    %dma_start3A_80 = tpu.memref_squeeze %dma_start3A_79 : memref<1x1x!tpu.dma_semaphore, #tpu.memory_space<semaphore_mem>> -> memref<!tpu.dma_semaphore, #tpu.memory_space<semaphore_mem>>
    %dma_start3A_81 = arith.constant 0 : i32
    %dma_start3A_82 = arith.constant 0 : i32
    %dma_start3A_83 = tpu.memref_slice %arg4[%dma_start3A_76, %dma_start3A_81, %dma_start3A_82] : memref<4x512x2048xf32, #tpu.memory_space<vmem>> -> memref<1x256x2048xf32, #tpu.memory_space<vmem>>
    %dma_start3A_84 = tpu.memref_squeeze %dma_start3A_83 : memref<1x256x2048xf32, #tpu.memory_space<vmem>> -> memref<256x2048xf32, #tpu.memory_space<vmem>>
    %dma_start3A_85 = arith.constant 9728 : i32
    %dma_start3A_86 = arith.constant 0 : i32
    %dma_start3A_87 = tpu.memref_slice %arg0[%dma_start3A_85, %dma_start3A_86] : memref<16384x2048xf32, #tpu.memory_space<any>> -> memref<256x2048xf32, #tpu.memory_space<any>>
    tpu.enqueue_dma source(%dma_start3A_87 : memref<256x2048xf32, #tpu.memory_space<any>>) target(%dma_start3A_84 : memref<256x2048xf32, #tpu.memory_space<vmem>>) target_semaphore(%dma_start3A_80 : memref<!tpu.dma_semaphore, #tpu.memory_space<semaphore_mem>>)
    %dma_start3A_88 = arith.constant 3 : i32
    %dma_start3A_89 = arith.constant 3 : i32
    %dma_start3A_90 = arith.constant 1 : i32
    %dma_start3A_91 = tpu.memref_slice %arg5[%dma_start3A_89, %dma_start3A_90] : memref<4x2x!tpu.dma_semaphore, #tpu.memory_space<semaphore_mem>> -> memref<1x1x!tpu.dma_semaphore, #tpu.memory_space<semaphore_mem>>
    %dma_start3A_92 = tpu.memref_squeeze %dma_start3A_91 : memref<1x1x!tpu.dma_semaphore, #tpu.memory_space<semaphore_mem>> -> memref<!tpu.dma_semaphore, #tpu.memory_space<semaphore_mem>>
    %dma_start3A_93 = arith.constant 256 : i32
    %dma_start3A_94 = arith.constant 0 : i32
    %dma_start3A_95 = tpu.memref_slice %arg4[%dma_start3A_88, %dma_start3A_93, %dma_start3A_94] : memref<4x512x2048xf32, #tpu.memory_space<vmem>> -> memref<1x256x2048xf32, #tpu.memory_space<vmem>>
    %dma_start3A_96 = tpu.memref_squeeze %dma_start3A_95 : memref<1x256x2048xf32, #tpu.memory_space<vmem>> -> memref<256x2048xf32, #tpu.memory_space<vmem>>
    %dma_start3A_97 = arith.constant 9984 : i32
    %dma_start3A_98 = arith.constant 0 : i32
    %dma_start3A_99 = tpu.memref_slice %arg0[%dma_start3A_97, %dma_start3A_98] : memref<16384x2048xf32, #tpu.memory_space<any>> -> memref<256x2048xf32, #tpu.memory_space<any>>
    tpu.enqueue_dma source(%dma_start3A_99 : memref<256x2048xf32, #tpu.memory_space<any>>) target(%dma_start3A_96 : memref<256x2048xf32, #tpu.memory_space<vmem>>) target_semaphore(%dma_start3A_92 : memref<!tpu.dma_semaphore, #tpu.memory_space<semaphore_mem>>)
    %scan3A = arith.constant 0 : i32
    %scan3A_100 = arith.constant 16 : i32
    %scan3A_101 = arith.addi %scan3A, %scan3A_100 : i32
    %scan3A_102 = arith.constant 1 : i32
    scf.for %scan3A_104 = %scan3A to %scan3A_101 step %scan3A_102  : i32 {
      %rem3A = arith.constant 4 : i32
      %rem3A_105 = arith.remsi %scan3A_104, %rem3A : i32
      %mul3A = arith.constant 512 : i32
      %mul3A_106 = arith.muli %scan3A_104, %mul3A : i32
      %add3A = arith.constant 8192 : i32
      %add3A_107 = arith.addi %add3A, %mul3A_106 : i32
      %dma_wait3A = arith.constant 0 : i32
      %dma_wait3A_108 = tpu.memref_slice %arg5[%rem3A_105, %dma_wait3A] : memref<4x2x!tpu.dma_semaphore, #tpu.memory_space<semaphore_mem>> -> memref<1x1x!tpu.dma_semaphore, #tpu.memory_space<semaphore_mem>>
      %dma_wait3A_109 = tpu.memref_squeeze %dma_wait3A_108 : memref<1x1x!tpu.dma_semaphore, #tpu.memory_space<semaphore_mem>> -> memref<!tpu.dma_semaphore, #tpu.memory_space<semaphore_mem>>
      %dma_wait3A_110 = arith.constant 0 : i32
      %dma_wait3A_111 = arith.constant 0 : i32
      %dma_wait3A_112 = tpu.memref_slice %arg4[%rem3A_105, %dma_wait3A_110, %dma_wait3A_111] : memref<4x512x2048xf32, #tpu.memory_space<vmem>> -> memref<1x256x2048xf32, #tpu.memory_space<vmem>>
      %dma_wait3A_113 = tpu.memref_squeeze %dma_wait3A_112 : memref<1x256x2048xf32, #tpu.memory_space<vmem>> -> memref<256x2048xf32, #tpu.memory_space<vmem>>
      %dma_wait3A_114 = arith.constant 0 : i32
      %dma_wait3A_115 = tpu.memref_slice %arg0[%add3A_107, %dma_wait3A_114] : memref<16384x2048xf32, #tpu.memory_space<any>> -> memref<256x2048xf32, #tpu.memory_space<any>>
      tpu.wait_dma2 semaphore(%dma_wait3A_109 : memref<!tpu.dma_semaphore, #tpu.memory_space<semaphore_mem>>) src(%dma_wait3A_115 : memref<256x2048xf32, #tpu.memory_space<any>>) dst(%dma_wait3A_113 : memref<256x2048xf32, #tpu.memory_space<vmem>>)
      %mul3A_116 = arith.constant 512 : i32
      %mul3A_117 = arith.muli %scan3A_104, %mul3A_116 : i32
      %add3A_118 = arith.constant 8192 : i32
      %add3A_119 = arith.addi %add3A_118, %mul3A_117 : i32
      %add3A_120 = arith.constant 256 : i32
      %add3A_121 = arith.addi %add3A_119, %add3A_120 : i32
      %dma_wait3A_122 = arith.constant 1 : i32
      %dma_wait3A_123 = tpu.memref_slice %arg5[%rem3A_105, %dma_wait3A_122] : memref<4x2x!tpu.dma_semaphore, #tpu.memory_space<semaphore_mem>> -> memref<1x1x!tpu.dma_semaphore, #tpu.memory_space<semaphore_mem>>
      %dma_wait3A_124 = tpu.memref_squeeze %dma_wait3A_123 : memref<1x1x!tpu.dma_semaphore, #tpu.memory_space<semaphore_mem>> -> memref<!tpu.dma_semaphore, #tpu.memory_space<semaphore_mem>>
      %dma_wait3A_125 = arith.constant 256 : i32
      %dma_wait3A_126 = arith.constant 0 : i32
      %dma_wait3A_127 = tpu.memref_slice %arg4[%rem3A_105, %dma_wait3A_125, %dma_wait3A_126] : memref<4x512x2048xf32, #tpu.memory_space<vmem>> -> memref<1x256x2048xf32, #tpu.memory_space<vmem>>
      %dma_wait3A_128 = tpu.memref_squeeze %dma_wait3A_127 : memref<1x256x2048xf32, #tpu.memory_space<vmem>> -> memref<256x2048xf32, #tpu.memory_space<vmem>>
      %dma_wait3A_129 = arith.constant 0 : i32
      %dma_wait3A_130 = tpu.memref_slice %arg0[%add3A_121, %dma_wait3A_129] : memref<16384x2048xf32, #tpu.memory_space<any>> -> memref<256x2048xf32, #tpu.memory_space<any>>
      tpu.wait_dma2 semaphore(%dma_wait3A_124 : memref<!tpu.dma_semaphore, #tpu.memory_space<semaphore_mem>>) src(%dma_wait3A_130 : memref<256x2048xf32, #tpu.memory_space<any>>) dst(%dma_wait3A_128 : memref<256x2048xf32, #tpu.memory_space<vmem>>)
      %get3A_131 = arith.index_cast %rem3A_105 : i32 to index
      %get3A_132 = arith.constant 0 : index
      %get3A_133 = arith.constant 0 : index
      %get3A_134 = vector.load %arg4[%get3A_131, %get3A_132, %get3A_133] : memref<4x512x2048xf32, #tpu.memory_space<vmem>>, vector<1x512x2048xf32>
      %get3A_135 = vector.shape_cast %get3A_134 : vector<1x512x2048xf32> to vector<512x2048xf32>
      %dot_general3A = arith.constant dense<0.000000e+00> : vector<16x512xf32>
      %dot_general3A_136 = tpu.matmul %get3A_1, %get3A_135, %dot_general3A {dimension_numbers = #tpu.dot_dimension_numbers<[1], [1], [0], [0], [0, 0, 1, 0], [], []>, transpose_lhs_hint = false} : vector<16x2048xf32>, vector<512x2048xf32>, vector<16x512xf32> -> vector<16x512xf32>
      %add3A_137 = vector.broadcast %get3A_4 : vector<16x1xf32> to vector<16x512xf32>
      %add3A_138 = arith.addf %dot_general3A_136, %add3A_137 : vector<16x512xf32>
      %mul3A_139 = arith.constant 512 : i32
      %mul3A_140 = arith.muli %scan3A_104, %mul3A_139 : i32
      %swap3A = arith.constant 0 : index
      %swap3A_141 = arith.index_cast %mul3A_140 : i32 to index
      %swap3A_142 = vector.load %arg3[%swap3A, %swap3A_141] : memref<16x8192xf32, #tpu.memory_space<vmem>>, vector<16x512xf32>
      tpu.vector_store %arg3[%swap3A, %swap3A_141], %add3A_138 {strides = array<i32>} : memref<16x8192xf32, #tpu.memory_space<vmem>>, vector<16x512xf32>,
      %add3A_143 = arith.constant 4 : i32
      %add3A_144 = arith.addi %scan3A_104, %add3A_143 : i32
      %lt3A = arith.constant 16 : i32
      %lt3A_145 = arith.cmpi slt, %add3A_144, %lt3A : i32
      %convert_element_type3A = arith.extui %lt3A_145 : i1 to i32
      %cond3A = arith.constant 0 : i32
      %cond3A_146 = arith.cmpi ne, %convert_element_type3A, %cond3A : i32
      scf.if %cond3A_146 {
        %add3A_147 = arith.constant 4 : i32
        %add3A_148 = arith.addi %scan3A_104, %add3A_147 : i32
        %mul3A_149 = arith.constant 512 : i32
        %mul3A_150 = arith.muli %add3A_148, %mul3A_149 : i32
        %add3A_151 = arith.constant 8192 : i32
        %add3A_152 = arith.addi %add3A_151, %mul3A_150 : i32
        %dma_start3A_153 = arith.constant 0 : i32
        %dma_start3A_154 = tpu.memref_slice %arg5[%rem3A_105, %dma_start3A_153] : memref<4x2x!tpu.dma_semaphore, #tpu.memory_space<semaphore_mem>> -> memref<1x1x!tpu.dma_semaphore, #tpu.memory_space<semaphore_mem>>
        %dma_start3A_155 = tpu.memref_squeeze %dma_start3A_154 : memref<1x1x!tpu.dma_semaphore, #tpu.memory_space<semaphore_mem>> -> memref<!tpu.dma_semaphore, #tpu.memory_space<semaphore_mem>>
        %dma_start3A_156 = arith.constant 0 : i32
        %dma_start3A_157 = arith.constant 0 : i32
        %dma_start3A_158 = tpu.memref_slice %arg4[%rem3A_105, %dma_start3A_156, %dma_start3A_157] : memref<4x512x2048xf32, #tpu.memory_space<vmem>> -> memref<1x256x2048xf32, #tpu.memory_space<vmem>>
        %dma_start3A_159 = tpu.memref_squeeze %dma_start3A_158 : memref<1x256x2048xf32, #tpu.memory_space<vmem>> -> memref<256x2048xf32, #tpu.memory_space<vmem>>
        %dma_start3A_160 = arith.constant 0 : i32
        %dma_start3A_161 = tpu.memref_slice %arg0[%add3A_152, %dma_start3A_160] : memref<16384x2048xf32, #tpu.memory_space<any>> -> memref<256x2048xf32, #tpu.memory_space<any>>
        tpu.enqueue_dma source(%dma_start3A_161 : memref<256x2048xf32, #tpu.memory_space<any>>) target(%dma_start3A_159 : memref<256x2048xf32, #tpu.memory_space<vmem>>) target_semaphore(%dma_start3A_155 : memref<!tpu.dma_semaphore, #tpu.memory_space<semaphore_mem>>)
        %mul3A_162 = arith.constant 512 : i32
        %mul3A_163 = arith.muli %add3A_148, %mul3A_162 : i32
        %add3A_164 = arith.constant 8192 : i32
        %add3A_165 = arith.addi %add3A_164, %mul3A_163 : i32
        %add3A_166 = arith.constant 256 : i32
        %add3A_167 = arith.addi %add3A_165, %add3A_166 : i32
        %dma_start3A_168 = arith.constant 1 : i32
        %dma_start3A_169 = tpu.memref_slice %arg5[%rem3A_105, %dma_start3A_168] : memref<4x2x!tpu.dma_semaphore, #tpu.memory_space<semaphore_mem>> -> memref<1x1x!tpu.dma_semaphore, #tpu.memory_space<semaphore_mem>>
        %dma_start3A_170 = tpu.memref_squeeze %dma_start3A_169 : memref<1x1x!tpu.dma_semaphore, #tpu.memory_space<semaphore_mem>> -> memref<!tpu.dma_semaphore, #tpu.memory_space<semaphore_mem>>
        %dma_start3A_171 = arith.constant 256 : i32
        %dma_start3A_172 = arith.constant 0 : i32
        %dma_start3A_173 = tpu.memref_slice %arg4[%rem3A_105, %dma_start3A_171, %dma_start3A_172] : memref<4x512x2048xf32, #tpu.memory_space<vmem>> -> memref<1x256x2048xf32, #tpu.memory_space<vmem>>
        %dma_start3A_174 = tpu.memref_squeeze %dma_start3A_173 : memref<1x256x2048xf32, #tpu.memory_space<vmem>> -> memref<256x2048xf32, #tpu.memory_space<vmem>>
        %dma_start3A_175 = arith.constant 0 : i32
        %dma_start3A_176 = tpu.memref_slice %arg0[%add3A_167, %dma_start3A_175] : memref<16384x2048xf32, #tpu.memory_space<any>> -> memref<256x2048xf32, #tpu.memory_space<any>>
        tpu.enqueue_dma source(%dma_start3A_176 : memref<256x2048xf32, #tpu.memory_space<any>>) target(%dma_start3A_174 : memref<256x2048xf32, #tpu.memory_space<vmem>>) target_semaphore(%dma_start3A_170 : memref<!tpu.dma_semaphore, #tpu.memory_space<semaphore_mem>>)
      } else {
      }
    }
    %scan3A_103 = arith.constant 16 : i32
    return
  }
}

</mosaic_0001>

<sc_bundles>
// kernel: kernel.6.cloned.1.call-start
scs
__scs_entry_jumppad:
0x0: {  	(pc) =	sbr.rel $0x88, $3  }
0x1: {  	(tag) =	ssettag $0x0;
	lr =	simm.s32 $0x1  }
0x2: {  	[smem:$0x3F9E] =	sst lr;
	_ =	strace $0xD0000000  }
0x3: {  	_ = 	snop  }
0x4: {  	_ = 	snop  }
0x5: {  	_ = 	snop  }
0x6: {  	_ = 	snop  }
0x7: {  	_ = 	snop  }
__scs_overlays_trampoline_lowered:
0x8: {  	[smem:$0x3FAD] =	sst s0  }
0x9: {  	[smem:$0x3FAE] =	sst s1  }
0xa: {  	[smem:$0x3FAF] =	sst s2  }
0xb: {  	[smem:$0x3FB0] =	sst s3  }
0xc: {  	[smem:$0x3FB1] =	sst s4  }
0xd: {  	[smem:$0x3FB2] =	sst s5  }
0xe: {  	[smem:$0x3FB3] =	sst s6  }
0xf: {  	[smem:$0x3FB4] =	sst s7  }
0x10: {  	[smem:$0x3FB5] =	sst s8  }
0x11: {  	[smem:$0x3FB6] =	sst s9;
	s0 =	simm.s32 @!p0 $0x0  }
0x12: {  	s1 =	sld [smem:$0x3F9C];
	s0 =	simm.s32 @p0 $0x1  }
0x13: {  	[smem:$0x3FB7] =	sst s0;
	s0 =	simm.s32 @!p1 $0x0  }
0x14: {  	s2 =	sld [smem:$0x3F9B];
	s0 =	simm.s32 @p1 $0x1  }
0x15: {  	[smem:$0x3FB8] =	sst s0;
	s0 =	simm.s32 @!p2 $0x0  }
0x16: {  	s3 =	sld [smem:$0x3FDB];
	s0 =	simm.s32 @p2 $0x1  }
0x17: {  	s4 =	simm.s32 $0x1BF5;
	[smem:$0x3FBA] =	sst s0  }
0x18: {  	s0 =	sld [smem:$0x3F9D];
	_ =	swait.ge [sflag:s4], $0x0  }
0x19: {  	s7 =	sld [smem:$0x3F9E]  }
0x1a: {  	s8 =	sadd.s32 $0xFFFFE003, lr  }
0x1b: {  	s9 =	sadd.s32 $0xFFFFFEF7, lr;
	s5 =	simm.s32 $0xFFFFFFFF;
	p2 =	slt.u32 s8, $0xFFFFF086  }
0x1c: {  	p1 =	slt.u32 s9, $0xF7A;
	s5 =	simm.s32 @!p2 $0x0  }
0x1d: {  	s5 =	simm.s32 @p1 $0x1;
	p0 =	seq.s32 s7, s2  }
0x1e: {  	s7 =	smul.u32 @!p0 $0xF7A, s2;
	p2 =	seq.s32 @!p0 s5, $0x0  }
0x1f: {  	s9 =	smul.u32 $0xF7A, s1;
	s8 =	simm.s32 @!p0 $0x1BF5;
	p2 =	por !p2, p0  }
0x20: {  	[sflag:s8] =	ssyncset.s32 @!p0 $0xFFFFF086;
	s6 =	sadd.s32 @!p0 s3, s7;
	s7 =	simm.s32 @!p0 $0x108  }
0x21: {  	s3 =	sadd.s32 s3, s9;
	s6 =	sadd.s32 @!p0 $0x88, s6;
	s7 =	simm.s32 @p2 $0x1082  }
0x22: {  	[simem:s7], [sflag:s8] =	dma.local @!p0 [hbm:s6], $0xF7A  }
0x23: {  	s9 =	sor.u32 $0xD0000000, s2;
	s6 =	simm.s32 $0x108;
	_ =	swait.ge @!p0 [sflag:s8], $0x0  }
0x24: {  	s3 =	sadd.s32 $0x88, s3;
	s6 =	simm.s32 @!p1 $0x1082;
	[sflag:s4] =	ssyncset.s32 $0xFFFFF086  }
0x25: {  	[simem:s6], [sflag:s4] =	dma.local [hbm:s3], $0xF7A  }
0x26: {  	[smem:$0x3F9E] =	sst s1;
	(tag) =	ssettag s2;
	_ =	strace s9  }
0x27: {  	s1 =	sld [smem:$0x3FAE]  }
0x28: {  	s2 =	sld [smem:$0x3FAF]  }
0x29: {  	s4 =	sld [smem:$0x3FB1]  }
0x2a: {  	p0 =	seq.s32 s5, $0x0;
	s5 =	sld [smem:$0x3FB2]  }
0x2b: {  	s6 =	sld [smem:$0x3FB3]  }
0x2c: {  	s7 =	sld [smem:$0x3FB4]  }
0x2d: {  	s3 =	simm.s32 $0x108;
	s8 =	sld [smem:$0x3FB5]  }
0x2e: {  	s3 =	simm.s32 @!p0 $0x1082;
	s9 =	sld [smem:$0x3FB6]  }
0x2f: {  	lr =	sadd.s32 s0, s3;
	s0 =	sld [smem:$0x3FAD]  }
0x30: {  	s3 =	sld [smem:$0x3FB0]  }
0x31: {  	[smem:$0x3FB9] =	sst s10  }
0x32: {  	s10 =	sld [smem:$0x3FB7];
	_ =	sdelay $0x3  }
0x33: {  	p0 =	seq.s32 s10, $0x1;
	s10 =	sld [smem:$0x3FB9];
	_ =	sdelay $0x3  }
0x34: {  	[smem:$0x3FB9] =	sst s10  }
0x35: {  	s10 =	sld [smem:$0x3FB8];
	_ =	sdelay $0x3  }
0x36: {  	p1 =	seq.s32 s10, $0x1;
	s10 =	sld [smem:$0x3FB9];
	_ =	sdelay $0x3  }
0x37: {  	[smem:$0x3FB9] =	sst s10  }
0x38: {  	s10 =	sld [smem:$0x3FBA]  }
0x39: {  	_ = 	snop;
	(pc) =	sbr.ind lr, $3  }
0x3a: {  	_ = 	snop  }
0x3b: {  	_ = 	snop  }
0x3c: {  	p2 =	seq.s32 s10, $0x1;
	s10 =	sld [smem:$0x3FB9]  }
0x3d: {  	_ =	shalt  }
0x3e: {  	_ =	shalt  }
0x3f: {  	_ =	shalt  }
0x40: {  	_ =	shalt  }
0x41: {  	_ =	shalt  }
0x42: {  	_ =	shalt  }
0x43: {  	_ =	shalt  }
0x44: {  	_ =	shalt  }
0x45: {  	_ =	shalt  }
0x46: {  	_ =	shalt  }
0x47: {  	_ =	shalt  }
0x48: {  	_ =	shalt  }
0x49: {  	_ =	shalt  }
0x4a: {  	_ =	shalt  }
0x4b: {  	_ =	shalt  }
0x4c: {  	_ =	shalt  }
0x4d: {  	_ =	shalt  }
0x4e: {  	_ =	shalt  }
0x4f: {  	_ =	shalt  }
0x50: {  	_ =	shalt  }
0x51: {  	_ =	shalt  }
0x52: {  	_ =	shalt  }
0x53: {  	_ =	shalt  }
0x54: {  	_ =	shalt  }
0x55: {  	_ =	shalt  }
0x56: {  	_ =	shalt  }
0x57: {  	_ =	shalt  }
0x58: {  	_ =	shalt  }
0x59: {  	_ =	shalt  }
0x5a: {  	_ =	shalt  }
0x5b: {  	_ =	shalt  }
0x5c: {  	_ =	shalt  }
0x5d: {  	_ =	shalt  }
0x5e: {  	_ =	shalt  }
0x5f: {  	_ =	shalt  }
0x60: {  	_ =	shalt  }
0x61: {  	_ =	shalt  }
0x62: {  	_ =	shalt  }
0x63: {  	_ =	shalt  }
0x64: {  	_ =	shalt  }
0x65: {  	_ =	shalt  }
0x66: {  	_ =	shalt  }
0x67: {  	_ =	shalt  }
0x68: {  	_ =	shalt  }
0x69: {  	_ =	shalt  }
0x6a: {  	_ =	shalt  }
0x6b: {  	_ =	shalt  }
0x6c: {  	_ =	shalt  }
0x6d: {  	_ =	shalt  }
0x6e: {  	_ =	shalt  }
0x6f: {  	_ =	shalt  }
0x70: {  	_ =	shalt  }
0x71: {  	_ =	shalt  }
0x72: {  	_ =	shalt  }
0x73: {  	_ =	shalt  }
0x74: {  	_ =	shalt  }
0x75: {  	_ =	shalt  }
0x76: {  	_ =	shalt  }
0x77: {  	_ =	shalt  }
0x78: {  	_ =	shalt  }
0x79: {  	_ =	shalt  }
0x7a: {  	_ =	shalt  }
0x7b: {  	_ =	shalt  }
0x7c: {  	_ =	shalt  }
0x7d: {  	_ =	shalt  }
0x7e: {  	_ =	shalt  }
0x7f: {  	_ =	shalt  }
0x80: {  	_ =	shalt  }
0x81: {  	_ =	shalt  }
0x82: {  	_ =	shalt  }
0x83: {  	_ =	shalt  }
0x84: {  	_ =	shalt  }
0x85: {  	_ =	shalt  }
0x86: {  	_ =	shalt  }
0x87: {  	_ =	shalt  }
.Lfunc_end0:
.L_simem_size_0:
called_computation_lowered:
.L_overlay_start_0:
0x88: {  	s2 =	sld [smem:$0x3FD9]  }
0x89: {  	s3 =	sld [smem:$0x3FFE];
	_ =	sdelay $0x1  }
0x8a: {  	s1 =	srdreg.scid  }
0x8b: {  	s0 =	sand.u32 $0x1, s1  }
0x8c: {  	s15 =	sshll.u32 s0, $0xA;
	s2 =	sadd.s32 s3, s2  }
0x8d: {  	s2 =	sadd.s32 s2, s15  }
0x8e: {  	[smem:$0x3FC5] =	sst s2  }
0x8f: {  	_ = 	snop  }
0x90: {  	s2 =	sld [smem:$0x3FD0];
	_ =	sdelay $0x2  }
0x91: {  	s16 =	simm.s32 $0xB;
	s4 =	simm.s32 $0x10  }
0x92: {  	[smem:s4], [sflag:s16] =	dma.local [hbm:s2], $0x1  }
0x93: {  	_ =	swait.eq [sflag:s16], $0x1  }
0x94: {  	[sflag:s16] =	ssyncset.done $0x0  }
0x95: {  	[sflag:s16] =	ssyncadd.s32 $0xFFFFFFFF  }
0x96: {  	s17 =	sld [smem:$0x11];
	(tm) =	ssettm $0x1  }
0x97: {  	s18 =	sld [smem:$0x3FFB];
	_ =	sdelay $0x3  }
0x98: {  	_ =	strace s18  }
0x99: {  	s2 =	sld [smem:$0x3FFC];
	_ =	sdelay $0x3  }
0x9a: {  	_ =	strace s2  }
0x9b: {  	s2 =	sld [smem:$0x3FFD];
	_ =	sdelay $0x3  }
0x9c: {  	_ =	strace s2  }
0x9d: {  	_ =	strace $0x8FFFFFFF  }
0x9e: {  	s19 =	sld [smem:$0x3FDB];
	_ =	sdelay $0x1  }
0x9f: {  	s20 =	simm.s32 $_scs_section_size  }
0xa0: {  	s5 =	simm.s32 $_size__tile_overlayer_lowered;
	s6 =	simm.s32 $_tile_overlayer_lowered  }
0xa1: {  	s7 =	simm.s32 $0x1BFF;
	s21 =	sshll.u32 s6, $0x1;
	s4 =	sadd.s32 s20, s19  }
0xa2: {  	s22 =	simm.s32 $0x0;
	s5 =	sshll.u32 s5, $0x1;
	s6 =	sadd.s32 s21, s4  }
0xa3: {  	[timem:s22], [sflag:s7] =	dma.local [hbm:s6], s5  }
0xa4: {  	_ =	swait.ge [sflag:s7], s5  }
0xa5: {  	s5 =	ssub.s32 $0x0, s5;
	[sflag:s7] =	ssyncset.done $0x0  }
0xa6: {  	[sflag:s7] =	ssyncadd.s32 s5;
	_ =	sdelay $0x1  }
0xa7: {  	s23 =	simm.s32 $0x1B8B  }
0xa8: {  	_ =	swait.ge [sflag:s23], $0x1  }
0xa9: {  	[sflag:s23] =	ssyncset.done $0x0  }
0xaa: {  	[sflag:s23] =	ssyncadd.s32 $0xFFFFFFFF  }
0xab: {  	s5 =	sld [smem:$0x0]  }
0xac: {  	s6 =	sand.u32 $0xFFFFFFFE, s1  }
0xad: {  	p0 =	sne.s32 s1, s6  }
0xae: {  	s6 =	sshll.u32 @p0 s6, $0xE  }
0xaf: {  	s6 =	sadd.s32 @p0 $0x11B8D, s6;
	s7 =	sshll.u32 @p0 s5, $0x11  }
0xb0: {  	s6 =	sor.u32 @p0 s7, s6  }
0xb1: {  	[sflag:s6] =	ssyncadd.remote.s32 @p0 $0x1;
	_ =	sdelay $0x1  }
0xb2: {  	s6 =	simm.s32 @p0 $0x1B8D  }
0xb3: {  	_ =	swait.eq @p0 [sflag:s6], $0x1  }
0xb4: {  	[sflag:s6] =	ssyncadd.s32 @p0 $0xFFFFFFFF  }
0xb5: {  	s7 =	sshll.u32 @!p0 s1, $0xE  }
0xb6: {  	s7 =	sor.u32 @!p0 $0x4000, s7;
	s6 =	simm.s32 @!p0 $0x1B8D  }
0xb7: {  	s5 =	sshll.u32 @!p0 s5, $0x11;
	s7 =	sadd.s32 @!p0 $0x11B8D, s7;
	_ =	swait.eq @!p0 [sflag:s6], $0x1  }
0xb8: {  	s5 =	sor.u32 @!p0 s5, s7;
	[sflag:s6] =	ssyncadd.s32 @!p0 $0xFFFFFFFF  }
0xb9: {  	s25 =	simm.s32 $0x1B8E;
	s24 =	sld [smem:$0x3FFE];
	[sflag:s5] =	ssyncadd.remote.s32 @!p0 $0x1  }
0xba: {  	s26 =	simm.s32 $execute0_lowered;
	[smem:$0x3FD2] =	sst s25  }
0xbb: {  	s6 =	sshll.u32 s26, $0x1;
	_ =	strace $0x80000049;
	[dreg:$0x1] =	wrdreg $0xFFFFFFFF  }
0xbc: {  	s28 =	simm.s32 $_size_execute0_lowered;
	s4 =	sadd.s32 s4, s6;
	[dreg:$0x0] =	wrdreg $0x0  }
0xbd: {  	s6 =	sshll.u32 s28, $0x1;
	[dreg:$0x2] =	wrdreg s4  }
0xbe: {  	[dreg:$0x3] =	wrdreg s6  }
0xbf: {  	[dreg:$0x4] =	wrdreg $0xC0  }
0xc0: {  	_ =	task [dreg:s22], $0x5FFFF  }
0xc1: {  	[dreg:$0x1] =	wrdreg $0xFFFFFFFF  }
0xc2: {  	[dreg:$0x0] =	wrdreg $0x60  }
0xc3: {  	[dreg:$0x2] =	wrdreg s24  }
0xc4: {  	[dreg:$0x3] =	wrdreg s17  }
0xc5: {  	[dreg:$0x4] =	wrdreg $0x9  }
0xc6: {  	_ =	task.clear_ibuf [dreg:s22], $0x5FFFF;
	_ =	strace $0x90000049  }
0xc7: {  	s29 =	simm.s32 $0x9;
	_ =	strace $0x8000004B  }
0xc8: {  	_ =	swait.ge [sflag:s29], $0x1  }
0xc9: {  	[sflag:s29] =	ssyncadd.s32 $0xFFFFFFFF  }
0xca: {  	_ =	strace $0x9000004B  }
0xcb: {  	_ =	sfence  }
0xcc: {  	s30 =	sld [smem:$0x0];
	_ =	sdelay $0x2  }
0xcd: {  	s31 =	sshll.u32 s1, $0xD;
	s1 =	sshrl.u32 s1, $0x2  }
0xce: {  	s4 =	sand.u32 $0x4000, s31;
	s1 =	sadd.s32 s1, s30  }
0xcf: {  	s0 =	sor.u32 s4, s0;
	s1 =	sshll.u32 s1, $0x11  }
0xd0: {  	s0 =	sor.u32 s1, s0  }
0xd1: {  	s0 =	sadd.s32 $0x8F2B, s0  }
0xd2: {  	[sflag:s0] =	ssyncadd.remote.s32 $0x1  }
0xd3: {  	_ =	sfence.sel $0xFFFF  }
0xd4: {  	[dreg:$0x0] =	wrdreg $0xFFFFFFFF;
	(pc) =	sbr.abs _section_cstart, $3  }
0xd5: {  	[dreg:$0x1] =	wrdreg $0xFFFFFFFF  }
0xd6: {  	_ =	task.clear_ibuf [dreg:s22], $0x2FFFF;
	_ =	strace $0x9FFFFFFF  }
0xd7: {  	(tm) =	ssettm $0x7FFFFFFF  }
tec
execute0_lowered:
.L_overlay_start_1:
0x0: {  	(tag) =	ssettag $0x1  }
0x1: {  	s3 =	rddreg [dreg:$0x0]  }
0x2: {  	s4 =	rddreg [dreg:$0x1]  }
0x3: {  	s0 =	rddreg [dreg:$0x2];
	s5 =	srdreg.scid  }
0x4: {  	s2 =	simm.s32 $0x0;
	s1 =	stileid.u32;
	s10 =	simm.s32 $0x1000  }
0x5: {  	s11 =	simm.s32 $0x1200;
	s12 =	simm.s32 $0x0;
	s5 =	sand.u32 $0x1, s5  }
0x6: {  	[smem:$0x7FF] =	sst s2;
	s6 =	sshll.u32 s1, $0x9;
	s7 =	sshll.u32 s5, $0x8  }
0x7: {  	_ =	strace $0x8000004A;
	s5 =	ssub.s32 $0x2, s5;
	s6 =	sor.u32 s7, s6  }
0x8: {  	s8 =	sshrl.u32 s5, $0x1;
	s7 =	sadd.s32 s6, s3;
	s6 =	sshrl.u32 s6, $0x2  }
0x9: {  	s8 =	ssub.s32 s5, s8;
	s9 =	sadd.s32 s6, s3;
	s3 =	sadd.s32 $0x6600, s7  }
0xa: {  	s4 =	sadd.s32 s4, s6;
	s6 =	smax.u32 s8, $0x1;
	s7 =	simm.s32 $0x800  }
0xb: {  	v0 =	vimm.s32 $0x0;
	s8 =	simm.s32 $0x10000;
	s5 =	sadd.s32 $0xA600, s9;
	s9 =	simm.s32 $0x1  }
.LBB2_1:
0xc: {  	[tilespmem:s2], [sflag:$0x1] =	stream.strided.gather [hbm4b:s3+s7], $0x1000, s8, s7, $0x38;
	[tilespmem:$0x1400] =	vst v63  }
0xd: {  	s14 =	simm.s32 $0x0;
	_ =	swait.ge [sflag:s9], $0x1000  }
0xe: {  	s13 =	sand.u32 $0x70, s2;
	s14 =	sand.u32 $0x3FFFFC00, s14;
	[sflag:s9] =	ssyncset.done $0x0  }
0xf: {  	s14 =	sor.u32 s13, s14;
	[sflag:s9] =	ssyncadd.s32 $0xFFFFF000  }
0x10: {  	v1 =	vld [tilespmem:s14+$0x80]  }
0x11: {  	v2 =	vld [tilespmem:s14+$0x0];
	_ =	sdelay $0x3  }
0x12: {  	v4 =	vimm.s32 $0x0  }
0x13: {  	v3 =	vld [tilespmem:s14+$0x100];
	vm0 =	vlt.f32 v1, $-Inf;
	vm1 =	vgt.f32 v1, $-Inf;
	vm2 =	vgt.f32 v1, v2  }
0x14: {  	v32 =	vimm.s32 $0x0;
	v4 =	vsel vm2, $0xFFFFFFFF, v4;
	vm0 =	vmor vm1, vm0  }
0x15: {  	v33 =	vimm.s32 $0x0;
	vm10 =	vmneg vm2;
	[tilespmem:$0x1FF10] =	vst v4;
	v4 =	vsel vm0, $0xFFFFFFFF, v32  }
0x16: {  	v34 =	vnsel vm0, $0xFF800000, v1;
	[tilespmem:$0x1FF00] =	vst v4;
	v4 =	vsel vm10, $0xFFFFFFFF, v33  }
0x17: {  	v5 =	vld [tilespmem:s14+$0x180];
	[tilespmem:$0x1FEF0] =	vst v4;
	v4 =	vsel vm10, v34, v2  }
0x18: {  	v1 =	vsel vm10, v2, v1;
	v2 =	vimm.s32 $0x0;
	vm11 =	vgt.f32 v3, v4  }
0x19: {  	v2 =	vsel vm11, $0xFFFFFFFF, v2  }
0x1a: {  	vm12 =	vgt.f32 v3, v1;
	[tilespmem:$0x1FF20] =	vst v2;
	v2 =	vsel vm11, v3, v4  }
0x1b: {  	v35 =	vld [tilespmem:s14+$0x200];
	v2 =	vsel vm12, v1, v2  }
0x1c: {  	v1 =	vsel vm12, v3, v1;
	v3 =	vimm.s32 $0x0;
	vm14 =	vgt.f32 v5, v2  }
0x1d: {  	v3 =	vsel vm14, $0xFFFFFFFF, v3  }
0x1e: {  	vm10 =	vgt.f32 v5, v1;
	v2 =	vsel vm14, v5, v2;
	[tilespmem:$0x1FF30] =	vst v3;
	v3 =	vld [tilespmem:s14+$0x280]  }
0x1f: {  	v2 =	vsel vm10, v1, v2  }
0x20: {  	v1 =	vsel vm10, v5, v1;
	vm15 =	vgt.f32 v35, v2  }
0x21: {  	v37 =	vld [tilespmem:s14+$0x300];
	vm8 =	vgt.f32 v35, v1;
	v2 =	vsel vm15, v35, v2  }
0x22: {  	v2 =	vsel vm8, v1, v2  }
0x23: {  	v1 =	vsel vm8, v35, v1;
	vm4 =	vgt.f32 v3, v2  }
0x24: {  	vm9 =	vgt.f32 v3, v1;
	v2 =	vsel vm4, v3, v2  }
0x25: {  	v39 =	vld [tilespmem:s14+$0x380];
	v2 =	vsel vm9, v1, v2  }
0x26: {  	v1 =	vsel vm9, v3, v1;
	v3 =	vimm.s32 $0x0;
	vm5 =	vgt.f32 v37, v2  }
0x27: {  	v3 =	vsel vm5, $0xFFFFFFFF, v3  }
0x28: {  	vm11 =	vgt.f32 v37, v1;
	v2 =	vsel vm5, v37, v2;
	[tilespmem:$0x1FF60] =	vst v3;
	v3 =	vld [tilespmem:s14+$0x800]  }
0x29: {  	v2 =	vsel vm11, v1, v2  }
0x2a: {  	v1 =	vsel vm11, v37, v1;
	vm6 =	vgt.f32 v39, v2  }
0x2b: {  	v41 =	vld [tilespmem:s14+$0x880];
	vm13 =	vgt.f32 v39, v1;
	v2 =	vsel vm6, v39, v2  }
0x2c: {  	v36 =	vimm.s32 $0x0;
	v2 =	vsel vm13, v1, v2  }
0x2d: {  	v38 =	vimm.s32 $0x0;
	v1 =	vsel vm13, v39, v1;
	vm7 =	vgt.f32 v3, v2  }
0x2e: {  	v5 =	vsel vm15, $0xFFFFFFFF, v36;
	vm15 =	vgt.f32 v3, v1;
	v2 =	vsel vm7, v3, v2  }
0x2f: {  	v43 =	vld [tilespmem:s14+$0x900];
	v4 =	vsel vm4, $0xFFFFFFFF, v38;
	v2 =	vsel vm15, v1, v2  }
0x30: {  	v1 =	vsel vm15, v3, v1;
	v3 =	vimm.s32 $0x0;
	vm14 =	vgt.f32 v41, v2  }
0x31: {  	v42 =	vimm.s32 $0x0;
	[tilespmem:$0x1FF50] =	vst v4;
	v3 =	vsel vm14, $0xFFFFFFFF, v3  }
0x32: {  	v4 =	vsel vm7, $0xFFFFFFFF, v42;
	vm7 =	vgt.f32 v41, v1;
	v2 =	vsel vm14, v41, v2;
	[tilespmem:$0x1FF90] =	vst v3;
	v3 =	vld [tilespmem:s14+$0x980]  }
0x33: {  	v2 =	vsel vm7, v1, v2  }
0x34: {  	v40 =	vimm.s32 $0x0;
	v1 =	vsel vm7, v41, v1;
	vm4 =	vgt.f32 v43, v2  }
0x35: {  	v45 =	vld [tilespmem:s14+$0xA00];
	[tilespmem:$0x1FF40] =	vst v5;
	v5 =	vsel vm6, $0xFFFFFFFF, v40;
	vm6 =	vgt.f32 v43, v1;
	v2 =	vsel vm4, v43, v2  }
0x36: {  	v2 =	vsel vm6, v1, v2  }
0x37: {  	v44 =	vimm.s32 $0x0;
	v1 =	vsel vm6, v43, v1;
	vm5 =	vgt.f32 v3, v2  }
0x38: {  	[tilespmem:$0x1FF70] =	vst v5;
	v5 =	vsel vm4, $0xFFFFFFFF, v44;
	vm4 =	vgt.f32 v3, v1;
	v2 =	vsel vm5, v3, v2  }
0x39: {  	v47 =	vld [tilespmem:s14+$0xA80];
	v2 =	vsel vm4, v1, v2  }
0x3a: {  	v1 =	vsel vm4, v3, v1;
	v3 =	vimm.s32 $0x0;
	vm14 =	vgt.f32 v45, v2  }
0x3b: {  	v3 =	vsel vm14, $0xFFFFFFFF, v3  }
0x3c: {  	vm2 =	vgt.f32 v45, v1;
	v2 =	vsel vm14, v45, v2;
	[tilespmem:$0x1FFC0] =	vst v3;
	v3 =	vld [tilespmem:s14+$0xB00]  }
0x3d: {  	v46 =	vimm.s32 $0x0;
	v2 =	vsel vm2, v1, v2  }
0x3e: {  	[tilespmem:$0x1FF80] =	vst v4;
	v4 =	vsel vm5, $0xFFFFFFFF, v46;
	v1 =	vsel vm2, v45, v1;
	vm5 =	vgt.f32 v47, v2  }
0x3f: {  	v49 =	vld [tilespmem:s14+$0xB80];
	vm1 =	vgt.f32 v47, v1;
	v2 =	vsel vm5, v47, v2  }
0x40: {  	v2 =	vsel vm1, v1, v2  }
0x41: {  	v1 =	vsel vm1, v47, v1;
	vm14 =	vgt.f32 v3, v2  }
0x42: {  	v48 =	vimm.s32 $0x0;
	vm3 =	vgt.f32 v3, v1;
	v2 =	vsel vm14, v3, v2  }
0x43: {  	[tilespmem:$0x1FFA0] =	vst v5;
	v5 =	vsel vm5, $0xFFFFFFFF, v48;
	v2 =	vsel vm3, v1, v2  }
0x44: {  	v1 =	vsel vm3, v3, v1;
	v3 =	vimm.s32 $0x0;
	vm5 =	vgt.f32 v49, v2  }
0x45: {  	v3 =	vsel vm5, $0xFFFFFFFF, v3  }
0x46: {  	[tilespmem:$0x1FFF0] =	vst v3;
	v3 =	vld [tilespmem:$0x1FEF0];
	_ =	sdelay $0x4  }
0x47: {  	vm0 =	vnez.u8 v3;
	v3 =	vld [tilespmem:$0x1FF00];
	_ =	sdelay $0x3  }
0x48: {  	v50 =	vimm.s32 $0x0  }
0x49: {  	[tilespmem:$0x1FFB0] =	vst v4;
	v4 =	vsel vm14, $0xFFFFFFFF, v50;
	vm14 =	vnez.u8 v3;
	v3 =	vld [tilespmem:$0x1FF10]  }
0x4a: {  	v51 =	vld [tilespmem:$0x1FF20];
	_ =	sdelay $0x1  }
0x4b: {  	v52 =	vld [tilespmem:$0x1FF30];
	v2 =	vsel vm5, v49, v2;
	vm5 =	vgt.f32 v49, v1  }
0x4c: {  	v2 =	vsel vm5, v1, v2;
	v1 =	vsel vm5, v49, v1  }
0x4d: {  	v1 =	vsub.f32 v2, v1;
	vm0 =	vmand vm0, vm14;
	vm14 =	vnez.u8 v3  }
0x4e: {  	v2 =	vsel vm0, $0x1, v0;
	v3 =	vsel vm14, $0x1, v0;
	vm14 =	vnez.u8 v51  }
0x4f: {  	v1 =	vmul.f32 $1.442695020e+00, v1;
	v2 =	vsel vm14, $0x2, v2  }
0x50: {  	v2 =	vsel vm12, v3, v2;
	v3 =	vsel vm12, $0x2, v3;
	vm12 =	vnez.u8 v52  }
0x51: {  	v2 =	vsel vm12, $0x3, v2  }
0x52: {  	(erf) = vpow2.f32 v1;
	v1 =	vsel vm10, v3, v2;
	v2 =	vsel vm10, $0x3, v3;
	v3 =	vld [tilespmem:$0x1FF40];
	_ =	sdelay $0x4  }
0x53: {  	vm14 =	vnez.u8 v3;
	v3 =	vld [tilespmem:$0x1FF50];
	_ =	sdelay $0x4  }
0x54: {  	vm10 =	vnez.u8 v3;
	v3 =	vld [tilespmem:$0x1FF60];
	_ =	sdelay $0x4  }
0x55: {  	v1 =	vsel vm14, $0x4, v1;
	vm12 =	vnez.u8 v3;
	v3 =	vld [tilespmem:$0x1FF70]  }
0x56: {  	v1 =	vsel vm8, v2, v1  }
0x57: {  	v53 =	vld [tilespmem:$0x1FF80];
	v2 =	vsel vm8, $0x4, v2;
	v1 =	vsel vm10, $0x5, v1  }
0x58: {  	v1 =	vsel vm9, v2, v1  }
0x59: {  	v55 =	vld [tilespmem:$0x1FF90];
	v2 =	vsel vm9, $0x5, v2;
	v1 =	vsel vm12, $0x6, v1  }
0x5a: {  	v1 =	vsel vm11, v2, v1;
	vm14 =	vnez.u8 v3  }
0x5b: {  	v56 =	vld [tilespmem:$0x1FFA0];
	v2 =	vsel vm11, $0x6, v2;
	v1 =	vsel vm14, $0x7, v1  }
0x5c: {  	vm8 =	vnez.u8 v53;
	v3 =	vpop (erf);
	v1 =	vsel vm13, v2, v1  }
0x5d: {  	v57 =	vld [tilespmem:$0x1FFB0];
	v54 =	vadd.f32 $1.000000000e+00, v3;
	v2 =	vsel vm13, $0x7, v2;
	v1 =	vsel vm8, $0x8, v1  }
0x5e: {  	vm9 =	vnez.u8 v55;
	v1 =	vsel vm15, v2, v1  }
0x5f: {  	v58 =	vld [tilespmem:$0x1FFC0];
	(erf) = vrcp.f32 v54;
	v2 =	vsel vm15, $0x8, v2;
	v1 =	vsel vm9, $0x9, v1  }
0x60: {  	[tilespmem:$0x1FFD0] =	vst v5;
	vm10 =	vnez.u8 v56;
	v1 =	vsel vm7, v2, v1  }
0x61: {  	v59 =	vld [tilespmem:$0x1FFD0];
	v2 =	vsel vm7, $0x9, v2;
	v1 =	vsel vm10, $0xA, v1  }
0x62: {  	[tilespmem:$0x1FFE0] =	vst v4;
	vm11 =	vnez.u8 v57;
	v1 =	vsel vm6, v2, v1  }
0x63: {  	v61 =	vld [tilespmem:$0x1FFE0];
	v2 =	vsel vm6, $0xA, v2;
	v1 =	vsel vm11, $0xB, v1  }
0x64: {  	vm12 =	vnez.u8 v58;
	v1 =	vsel vm4, v2, v1  }
0x65: {  	v62 =	vld [tilespmem:$0x1FFF0];
	v2 =	vsel vm4, $0xB, v2;
	v1 =	vsel vm12, $0xC, v1  }
0x66: {  	vm13 =	vnez.u8 v59;
	v1 =	vsel vm2, v2, v1  }
0x67: {  	s30 =	simm.s32 $0x0;
	v2 =	vsel vm2, $0xC, v2;
	v1 =	vsel vm13, $0xD, v1  }
0x68: {  	s14 =	sand.u32 $0xFFFFFF00, s30;
	vm14 =	vnez.u8 v61;
	v60 =	vpop (erf);
	v1 =	vsel vm1, v2, v1  }
0x69: {  	s19 =	sor.u32 s13, s14;
	s31 =	sor.u32 s14, s2;
	v3 =	vmul.f32 v60, v3;
	v2 =	vsel vm1, $0xD, v2;
	v1 =	vsel vm14, $0xE, v1  }
0x6a: {  	s17 =	sor.u32 $0x80, s31;
	vm15 =	vnez.u8 v62;
	[tilespmem:s19+$0x1000] =	vst v60;
	v1 =	vsel vm3, v2, v1;
	v2 =	vsel vm3, $0xE, v2  }
0x6b: {  	s18 =	simm.s32 $0x80;
	s16 =	simm.s32 $0x2;
	s13 =	simm.s32 $0x10;
	[tilespmem:s17+$0x1000] =	vst v3;
	v1 =	vsel vm15, $0xF, v1;
	v63 =	vsel vm5, $0xF, v2  }
0x6c: {  	s18 =	sand.u32 $0x3FFFFC00, s18;
	s14 =	simm.s32 $0x1;
	s15 =	sand.u32 $0x70, s13;
	v1 =	vsel vm5, v2, v1;
	[tilespmem:s19+$0x1200] =	vst v63  }
.LBB2_2:
0x6d: {  	p0 =	sne.s32 s16, $0xF  }
0x6e: {  	s18 =	sor.u32 s15, s18;
	[tilespmem:s17+$0x1200] =	vst v1;
	s17 =	smov.u32 s16;
	s16 =	sadd.s32 $0x1, s16  }
0x6f: {  	v1 =	vld [tilespmem:s18+$0x80]  }
0x70: {  	v2 =	vld [tilespmem:s18+$0x0];
	_ =	sdelay $0x2  }
0x71: {  	v3 =	vld [tilespmem:s18+$0x100]  }
0x72: {  	vm0 =	vlt.f32 v1, $-Inf;
	vm1 =	vgt.f32 v1, $-Inf  }
0x73: {  	vm2 =	vgt.f32 v1, v2;
	vm0 =	vmor vm1, vm0  }
0x74: {  	vm1 =	vmneg vm2;
	v4 =	vnsel vm0, $0xFF800000, v1;
	v5 =	vld [tilespmem:s18+$0x180]  }
0x75: {  	v6 =	vsel vm2, $0x1, v0;
	v4 =	vsel vm1, v4, v2;
	vm0 =	vmand vm1, vm0  }
0x76: {  	v1 =	vsel vm1, v2, v1;
	v7 =	vsel vm0, $0x1, v0;
	vm0 =	vgt.f32 v3, v4  }
0x77: {  	vm1 =	vgt.f32 v3, v1;
	v2 =	vsel vm0, v3, v4;
	v4 =	vsel vm0, $0x2, v7;
	v7 =	vld [tilespmem:s18+$0x200]  }
0x78: {  	v2 =	vsel vm1, v1, v2;
	v4 =	vsel vm1, v6, v4  }
0x79: {  	v1 =	vsel vm1, v3, v1;
	v3 =	vsel vm1, $0x2, v6;
	vm0 =	vgt.f32 v5, v2  }
0x7a: {  	vm1 =	vgt.f32 v5, v1;
	v2 =	vsel vm0, v5, v2;
	v4 =	vsel vm0, $0x3, v4;
	v6 =	vld [tilespmem:s18+$0x280]  }
0x7b: {  	v2 =	vsel vm1, v1, v2;
	v4 =	vsel vm1, v3, v4;
	v1 =	vsel vm1, v5, v1  }
0x7c: {  	v3 =	vsel vm1, $0x3, v3;
	vm0 =	vgt.f32 v7, v2  }
0x7d: {  	vm1 =	vgt.f32 v7, v1;
	v2 =	vsel vm0, v7, v2;
	v4 =	vsel vm0, $0x4, v4;
	v5 =	vld [tilespmem:s18+$0x300]  }
0x7e: {  	v2 =	vsel vm1, v1, v2;
	v4 =	vsel vm1, v3, v4;
	v3 =	vsel vm1, $0x4, v3  }
0x7f: {  	v1 =	vsel vm1, v7, v1;
	vm0 =	vgt.f32 v6, v2  }
0x80: {  	vm1 =	vgt.f32 v6, v1;
	v2 =	vsel vm0, v6, v2;
	v4 =	vsel vm0, $0x5, v4;
	v7 =	vld [tilespmem:s18+$0x380]  }
0x81: {  	v2 =	vsel vm1, v1, v2;
	v4 =	vsel vm1, v3, v4;
	v1 =	vsel vm1, v6, v1  }
0x82: {  	v3 =	vsel vm1, $0x5, v3;
	vm0 =	vgt.f32 v5, v2  }
0x83: {  	vm1 =	vgt.f32 v5, v1;
	v2 =	vsel vm0, v5, v2;
	v4 =	vsel vm0, $0x6, v4;
	v6 =	vld [tilespmem:s18+$0x800]  }
0x84: {  	v2 =	vsel vm1, v1, v2;
	v4 =	vsel vm1, v3, v4;
	v1 =	vsel vm1, v5, v1  }
0x85: {  	v3 =	vsel vm1, $0x6, v3;
	vm0 =	vgt.f32 v7, v2  }
0x86: {  	vm1 =	vgt.f32 v7, v1;
	v2 =	vsel vm0, v7, v2;
	v4 =	vsel vm0, $0x7, v4;
	v5 =	vld [tilespmem:s18+$0x880]  }
0x87: {  	v2 =	vsel vm1, v1, v2;
	v4 =	vsel vm1, v3, v4  }
0x88: {  	v1 =	vsel vm1, v7, v1;
	vm0 =	vgt.f32 v6, v2  }
0x89: {  	vm2 =	vgt.f32 v6, v1;
	v2 =	vsel vm0, v6, v2;
	v4 =	vsel vm0, $0x8, v4;
	v7 =	vld [tilespmem:s18+$0x900]  }
0x8a: {  	v3 =	vsel vm1, $0x7, v3;
	v2 =	vsel vm2, v1, v2  }
0x8b: {  	v4 =	vsel vm2, v3, v4;
	v1 =	vsel vm2, v6, v1;
	vm0 =	vgt.f32 v5, v2  }
0x8c: {  	vm1 =	vgt.f32 v5, v1;
	v2 =	vsel vm0, v5, v2;
	v4 =	vsel vm0, $0x9, v4;
	v6 =	vld [tilespmem:s18+$0x980]  }
0x8d: {  	v3 =	vsel vm2, $0x8, v3;
	v2 =	vsel vm1, v1, v2;
	v1 =	vsel vm1, v5, v1  }
0x8e: {  	v4 =	vsel vm1, v3, v4;
	v3 =	vsel vm1, $0x9, v3;
	vm0 =	vgt.f32 v7, v2  }
0x8f: {  	vm1 =	vgt.f32 v7, v1;
	v2 =	vsel vm0, v7, v2;
	v4 =	vsel vm0, $0xA, v4;
	v5 =	vld [tilespmem:s18+$0xA00]  }
0x90: {  	v2 =	vsel vm1, v1, v2;
	v4 =	vsel vm1, v3, v4;
	v1 =	vsel vm1, v7, v1  }
0x91: {  	v3 =	vsel vm1, $0xA, v3;
	vm0 =	vgt.f32 v6, v2  }
0x92: {  	vm1 =	vgt.f32 v6, v1;
	v2 =	vsel vm0, v6, v2;
	v4 =	vsel vm0, $0xB, v4;
	v7 =	vld [tilespmem:s18+$0xA80]  }
0x93: {  	v2 =	vsel vm1, v1, v2;
	v4 =	vsel vm1, v3, v4  }
0x94: {  	v1 =	vsel vm1, v6, v1;
	v3 =	vsel vm1, $0xB, v3;
	vm0 =	vgt.f32 v5, v2  }
0x95: {  	vm1 =	vgt.f32 v5, v1;
	v2 =	vsel vm0, v5, v2;
	v4 =	vsel vm0, $0xC, v4;
	v6 =	vld [tilespmem:s18+$0xB00]  }
0x96: {  	v2 =	vsel vm1, v1, v2;
	v4 =	vsel vm1, v3, v4  }
0x97: {  	v1 =	vsel vm1, v5, v1;
	v3 =	vsel vm1, $0xC, v3;
	vm0 =	vgt.f32 v7, v2  }
0x98: {  	vm1 =	vgt.f32 v7, v1;
	v2 =	vsel vm0, v7, v2;
	v4 =	vsel vm0, $0xD, v4;
	v5 =	vld [tilespmem:s18+$0xB80]  }
0x99: {  	v2 =	vsel vm1, v1, v2;
	v4 =	vsel vm1, v3, v4;
	v1 =	vsel vm1, v7, v1  }
0x9a: {  	v3 =	vsel vm1, $0xD, v3;
	vm0 =	vgt.f32 v6, v2  }
0x9b: {  	vm1 =	vgt.f32 v6, v1;
	v2 =	vsel vm0, v6, v2;
	v4 =	vsel vm0, $0xE, v4  }
0x9c: {  	v6 =	vsel vm1, v6, v1;
	v2 =	vsel vm1, v1, v2;
	v4 =	vsel vm1, v3, v4  }
0x9d: {  	v3 =	vsel vm1, $0xE, v3;
	vm1 =	vgt.f32 v5, v2  }
0x9e: {  	vm0 =	vgt.f32 v5, v6;
	v1 =	vsel vm1, v5, v2;
	v2 =	vsel vm1, $0xF, v4  }
0x9f: {  	v4 =	vsel vm0, v6, v1;
	v1 =	vsel vm0, v3, v2;
	v2 =	vsel vm0, v5, v6  }
0xa0: {  	v2 =	vsub.f32 v4, v2;
	_ =	sdelay $0x1  }
0xa1: {  	v2 =	vmul.f32 $1.442695020e+00, v2;
	_ =	sdelay $0x1  }
0xa2: {  	(erf) = vpow2.f32 v2;
	_ =	sdelay $0x8  }
0xa3: {  	v2 =	vpop (erf)  }
0xa4: {  	v4 =	vadd.f32 $1.000000000e+00, v2;
	_ =	sdelay $0x1  }
0xa5: {  	(erf) = vrcp.f32 v4;
	_ =	sdelay $0x6  }
0xa6: {  	s18 =	sshll.u32 s14, $0x5;
	s14 =	smov.u32 s17  }
0xa7: {  	s17 =	sand.u32 $0xFFFFFF00, s18  }
.Ltmp0:
0xa8: {  	s19 =	sor.u32 s15, s17;
	s15 =	sor.u32 s17, s13;
	v4 =	vpop (erf);
	(pc) =	sbr.rel @p0 .LBB2_2-.Ltmp0, $4  }
0xa9: {  	[tilespmem:s19+$0x1000] =	vst v4;
	v2 =	vmul.f32 v4, v2  }
0xaa: {  	s17 =	sor.u32 $0x80, s15  }
0xab: {  	s18 =	sshll.u32 s14, $0x7;
	s13 =	sadd.s32 $0x10, s13;
	v3 =	vsel vm0, $0xF, v3;
	[tilespmem:s17+$0x1000] =	vst v2  }
0xac: {  	s18 =	sand.u32 $0x3FFFFC00, s18;
	s15 =	sand.u32 $0x70, s13;
	[tilespmem:s19+$0x1200] =	vst v3  }
0xad: {  	s16 =	sor.u32 s15, s18;
	[tilespmem:s17+$0x1200] =	vst v1  }
0xae: {  	v1 =	vld [tilespmem:s16+$0x80]  }
0xaf: {  	v2 =	vld [tilespmem:s16+$0x0];
	_ =	sdelay $0x3  }
0xb0: {  	v4 =	vimm.s32 $0x0  }
0xb1: {  	v3 =	vld [tilespmem:s16+$0x100];
	vm0 =	vlt.f32 v1, $-Inf;
	vm1 =	vgt.f32 v1, $-Inf;
	vm2 =	vgt.f32 v1, v2  }
0xb2: {  	v32 =	vimm.s32 $0x0;
	v4 =	vsel vm2, $0xFFFFFFFF, v4;
	vm0 =	vmor vm1, vm0  }
0xb3: {  	v33 =	vimm.s32 $0x0;
	vm10 =	vmneg vm2;
	[tilespmem:$0x1FE00] =	vst v4;
	v4 =	vsel vm0, $0xFFFFFFFF, v32  }
0xb4: {  	v34 =	vnsel vm0, $0xFF800000, v1;
	[tilespmem:$0x1FDF0] =	vst v4;
	v4 =	vsel vm10, $0xFFFFFFFF, v33  }
0xb5: {  	v5 =	vld [tilespmem:s16+$0x180];
	[tilespmem:$0x1FDE0] =	vst v4;
	v4 =	vsel vm10, v34, v2  }
0xb6: {  	v1 =	vsel vm10, v2, v1;
	v2 =	vimm.s32 $0x0;
	vm11 =	vgt.f32 v3, v4  }
0xb7: {  	v2 =	vsel vm11, $0xFFFFFFFF, v2  }
0xb8: {  	vm12 =	vgt.f32 v3, v1;
	[tilespmem:$0x1FE10] =	vst v2;
	v2 =	vsel vm11, v3, v4  }
0xb9: {  	v35 =	vld [tilespmem:s16+$0x200];
	v2 =	vsel vm12, v1, v2  }
0xba: {  	v1 =	vsel vm12, v3, v1;
	v3 =	vimm.s32 $0x0;
	vm14 =	vgt.f32 v5, v2  }
0xbb: {  	v3 =	vsel vm14, $0xFFFFFFFF, v3  }
0xbc: {  	vm10 =	vgt.f32 v5, v1;
	v2 =	vsel vm14, v5, v2;
	[tilespmem:$0x1FE20] =	vst v3;
	v3 =	vld [tilespmem:s16+$0x280]  }
0xbd: {  	v2 =	vsel vm10, v1, v2  }
0xbe: {  	v1 =	vsel vm10, v5, v1;
	vm15 =	vgt.f32 v35, v2  }
0xbf: {  	v37 =	vld [tilespmem:s16+$0x300];
	vm8 =	vgt.f32 v35, v1;
	v2 =	vsel vm15, v35, v2  }
0xc0: {  	v2 =	vsel vm8, v1, v2  }
0xc1: {  	v1 =	vsel vm8, v35, v1;
	vm4 =	vgt.f32 v3, v2  }
0xc2: {  	vm9 =	vgt.f32 v3, v1;
	v2 =	vsel vm4, v3, v2  }
0xc3: {  	v39 =	vld [tilespmem:s16+$0x380];
	v2 =	vsel vm9, v1, v2  }
0xc4: {  	v1 =	vsel vm9, v3, v1;
	v3 =	vimm.s32 $0x0;
	vm5 =	vgt.f32 v37, v2  }
0xc5: {  	v3 =	vsel vm5, $0xFFFFFFFF, v3  }
0xc6: {  	vm11 =	vgt.f32 v37, v1;
	v2 =	vsel vm5, v37, v2;
	[tilespmem:$0x1FE50] =	vst v3;
	v3 =	vld [tilespmem:s16+$0x800]  }
0xc7: {  	v2 =	vsel vm11, v1, v2  }
0xc8: {  	v1 =	vsel vm11, v37, v1;
	vm6 =	vgt.f32 v39, v2  }
0xc9: {  	v41 =	vld [tilespmem:s16+$0x880];
	vm13 =	vgt.f32 v39, v1;
	v2 =	vsel vm6, v39, v2  }
0xca: {  	v36 =	vimm.s32 $0x0;
	v2 =	vsel vm13, v1, v2  }
0xcb: {  	v38 =	vimm.s32 $0x0;
	v1 =	vsel vm13, v39, v1;
	vm7 =	vgt.f32 v3, v2  }
0xcc: {  	v5 =	vsel vm15, $0xFFFFFFFF, v36;
	vm15 =	vgt.f32 v3, v1;
	v2 =	vsel vm7, v3, v2  }
0xcd: {  	v43 =	vld [tilespmem:s16+$0x900];
	v4 =	vsel vm4, $0xFFFFFFFF, v38;
	v2 =	vsel vm15, v1, v2  }
0xce: {  	v1 =	vsel vm15, v3, v1;
	v3 =	vimm.s32 $0x0;
	vm14 =	vgt.f32 v41, v2  }
0xcf: {  	v42 =	vimm.s32 $0x0;
	[tilespmem:$0x1FE40] =	vst v4;
	v3 =	vsel vm14, $0xFFFFFFFF, v3  }
0xd0: {  	v4 =	vsel vm7, $0xFFFFFFFF, v42;
	vm7 =	vgt.f32 v41, v1;
	v2 =	vsel vm14, v41, v2;
	[tilespmem:$0x1FE80] =	vst v3;
	v3 =	vld [tilespmem:s16+$0x980]  }
0xd1: {  	v2 =	vsel vm7, v1, v2  }
0xd2: {  	v40 =	vimm.s32 $0x0;
	v1 =	vsel vm7, v41, v1;
	vm4 =	vgt.f32 v43, v2  }
0xd3: {  	v45 =	vld [tilespmem:s16+$0xA00];
	[tilespmem:$0x1FE30] =	vst v5;
	v5 =	vsel vm6, $0xFFFFFFFF, v40;
	vm6 =	vgt.f32 v43, v1;
	v2 =	vsel vm4, v43, v2  }
0xd4: {  	v2 =	vsel vm6, v1, v2  }
0xd5: {  	v46 =	vimm.s32 $0x0;
	v1 =	vsel vm6, v43, v1;
	vm5 =	vgt.f32 v3, v2  }
0xd6: {  	[tilespmem:$0x1FE70] =	vst v4;
	v4 =	vsel vm5, $0xFFFFFFFF, v46;
	v2 =	vsel vm5, v3, v2;
	vm5 =	vgt.f32 v3, v1  }
0xd7: {  	v47 =	vld [tilespmem:s16+$0xA80];
	v2 =	vsel vm5, v1, v2  }
0xd8: {  	v1 =	vsel vm5, v3, v1;
	v3 =	vimm.s32 $0x0;
	vm14 =	vgt.f32 v45, v2  }
0xd9: {  	v3 =	vsel vm14, $0xFFFFFFFF, v3  }
0xda: {  	vm2 =	vgt.f32 v45, v1;
	v2 =	vsel vm14, v45, v2;
	[tilespmem:$0x1FEB0] =	vst v3;
	v3 =	vld [tilespmem:s16+$0xB00]  }
0xdb: {  	v44 =	vimm.s32 $0x0;
	v2 =	vsel vm2, v1, v2  }
0xdc: {  	[tilespmem:$0x1FE60] =	vst v5;
	v5 =	vsel vm4, $0xFFFFFFFF, v44;
	v1 =	vsel vm2, v45, v1;
	vm4 =	vgt.f32 v47, v2  }
0xdd: {  	v49 =	vld [tilespmem:s16+$0xB80];
	vm1 =	vgt.f32 v47, v1;
	v2 =	vsel vm4, v47, v2  }
0xde: {  	v2 =	vsel vm1, v1, v2  }
0xdf: {  	v1 =	vsel vm1, v47, v1;
	vm14 =	vgt.f32 v3, v2  }
0xe0: {  	v48 =	vimm.s32 $0x0;
	vm3 =	vgt.f32 v3, v1;
	v2 =	vsel vm14, v3, v2  }
0xe1: {  	[tilespmem:$0x1FE90] =	vst v5;
	v5 =	vsel vm4, $0xFFFFFFFF, v48;
	v2 =	vsel vm3, v1, v2  }
0xe2: {  	v1 =	vsel vm3, v3, v1;
	v3 =	vimm.s32 $0x0;
	vm4 =	vgt.f32 v49, v2  }
0xe3: {  	v3 =	vsel vm4, $0xFFFFFFFF, v3  }
0xe4: {  	[tilespmem:$0x1FEE0] =	vst v3;
	v3 =	vld [tilespmem:$0x1FDE0];
	_ =	sdelay $0x4  }
0xe5: {  	vm0 =	vnez.u8 v3;
	v3 =	vld [tilespmem:$0x1FDF0];
	_ =	sdelay $0x3  }
0xe6: {  	v50 =	vimm.s32 $0x0  }
0xe7: {  	[tilespmem:$0x1FEA0] =	vst v4;
	v4 =	vsel vm14, $0xFFFFFFFF, v50;
	vm14 =	vnez.u8 v3;
	v3 =	vld [tilespmem:$0x1FE00]  }
0xe8: {  	v51 =	vld [tilespmem:$0x1FE10];
	_ =	sdelay $0x1  }
0xe9: {  	v52 =	vld [tilespmem:$0x1FE20];
	v2 =	vsel vm4, v49, v2;
	vm4 =	vgt.f32 v49, v1  }
0xea: {  	v2 =	vsel vm4, v1, v2;
	v1 =	vsel vm4, v49, v1  }
0xeb: {  	v1 =	vsub.f32 v2, v1;
	vm0 =	vmand vm0, vm14;
	vm14 =	vnez.u8 v3  }
0xec: {  	v2 =	vsel vm0, $0x1, v0;
	v3 =	vsel vm14, $0x1, v0;
	vm14 =	vnez.u8 v51  }
0xed: {  	v1 =	vmul.f32 $1.442695020e+00, v1;
	v2 =	vsel vm14, $0x2, v2  }
0xee: {  	v2 =	vsel vm12, v3, v2;
	v3 =	vsel vm12, $0x2, v3;
	vm12 =	vnez.u8 v52  }
0xef: {  	v2 =	vsel vm12, $0x3, v2  }
0xf0: {  	(erf) = vpow2.f32 v1;
	v1 =	vsel vm10, v3, v2;
	v2 =	vsel vm10, $0x3, v3;
	v3 =	vld [tilespmem:$0x1FE30];
	_ =	sdelay $0x4  }
0xf1: {  	vm14 =	vnez.u8 v3;
	v3 =	vld [tilespmem:$0x1FE40];
	_ =	sdelay $0x4  }
0xf2: {  	vm10 =	vnez.u8 v3;
	v3 =	vld [tilespmem:$0x1FE50];
	_ =	sdelay $0x4  }
0xf3: {  	v1 =	vsel vm14, $0x4, v1;
	vm12 =	vnez.u8 v3;
	v3 =	vld [tilespmem:$0x1FE60]  }
0xf4: {  	v1 =	vsel vm8, v2, v1  }
0xf5: {  	v53 =	vld [tilespmem:$0x1FE70];
	v2 =	vsel vm8, $0x4, v2;
	v1 =	vsel vm10, $0x5, v1  }
0xf6: {  	v1 =	vsel vm9, v2, v1  }
0xf7: {  	v55 =	vld [tilespmem:$0x1FE80];
	v2 =	vsel vm9, $0x5, v2;
	v1 =	vsel vm12, $0x6, v1  }
0xf8: {  	v1 =	vsel vm11, v2, v1;
	vm14 =	vnez.u8 v3  }
0xf9: {  	v56 =	vld [tilespmem:$0x1FE90];
	v2 =	vsel vm11, $0x6, v2;
	v1 =	vsel vm14, $0x7, v1  }
0xfa: {  	vm8 =	vnez.u8 v53;
	v3 =	vpop (erf);
	v1 =	vsel vm13, v2, v1  }
0xfb: {  	v57 =	vld [tilespmem:$0x1FEA0];
	v54 =	vadd.f32 $1.000000000e+00, v3;
	v2 =	vsel vm13, $0x7, v2;
	v1 =	vsel vm8, $0x8, v1  }
0xfc: {  	vm9 =	vnez.u8 v55;
	v1 =	vsel vm15, v2, v1  }
0xfd: {  	v58 =	vld [tilespmem:$0x1FEB0];
	(erf) = vrcp.f32 v54;
	v2 =	vsel vm15, $0x8, v2;
	v1 =	vsel vm9, $0x9, v1  }
0xfe: {  	[tilespmem:$0x1FEC0] =	vst v5;
	vm10 =	vnez.u8 v56;
	v1 =	vsel vm7, v2, v1  }
0xff: {  	v59 =	vld [tilespmem:$0x1FEC0];
	v2 =	vsel vm7, $0x9, v2;
	v1 =	vsel vm10, $0xA, v1  }
0x100: {  	[tilespmem:$0x1FED0] =	vst v4;
	vm11 =	vnez.u8 v57;
	v1 =	vsel vm6, v2, v1  }
0x101: {  	v61 =	vld [tilespmem:$0x1FED0];
	v2 =	vsel vm6, $0xA, v2;
	v1 =	vsel vm11, $0xB, v1  }
0x102: {  	vm12 =	vnez.u8 v58;
	v1 =	vsel vm5, v2, v1  }
0x103: {  	v62 =	vld [tilespmem:$0x1FEE0];
	v2 =	vsel vm5, $0xB, v2;
	v1 =	vsel vm12, $0xC, v1  }
0x104: {  	vm13 =	vnez.u8 v59;
	v1 =	vsel vm2, v2, v1  }
0x105: {  	s14 =	sshll.u32 s14, $0x5;
	v2 =	vsel vm2, $0xC, v2;
	v1 =	vsel vm13, $0xD, v1  }
0x106: {  	s14 =	sand.u32 $0xFFFFFF00, s14;
	vm14 =	vnez.u8 v61;
	v60 =	vpop (erf);
	v1 =	vsel vm1, v2, v1  }
0x107: {  	s31 =	sor.u32 s15, s14;
	s13 =	sor.u32 s14, s13;
	v3 =	vmul.f32 v60, v3;
	v2 =	vsel vm1, $0xD, v2;
	v1 =	vsel vm14, $0xE, v1  }
0x108: {  	s13 =	sor.u32 $0x80, s13;
	vm15 =	vnez.u8 v62;
	[tilespmem:s31+$0x1000] =	vst v60;
	v1 =	vsel vm3, v2, v1;
	v2 =	vsel vm3, $0xE, v2  }
0x109: {  	[tilespmem:s13+$0x1000] =	vst v3;
	v1 =	vsel vm15, $0xF, v1;
	v63 =	vsel vm4, $0xF, v2  }
0x10a: {  	v1 =	vsel vm4, v2, v1;
	[tilespmem:s31+$0x1200] =	vst v63  }
0x10b: {  	[tilespmem:s13+$0x1200] =	vst v1  }
0x10c: {  	[hbm4b:s4+s2] =	stream.linear.scatter [tilespmem:s10], [sflag:$0x1], $0x200, $0x38;
	[tilespmem:$0x1400] =	vst v63  }
0x10d: {  	s12 =	sadd.s32 $0x1, s12;
	_ =	swait.ge [sflag:s9], $0x200  }
0x10e: {  	p0 =	sne.s32 s12, s6;
	[sflag:s9] =	ssyncset.done $0x0  }
.Ltmp1:
0x10f: {  	[sflag:s9] =	ssyncadd.s32 $0xFFFFFE00;
	(pc) =	sbr.rel @p0 .LBB2_1-.Ltmp1, $4  }
0x110: {  	[hbm4b:s5+s2] =	stream.linear.scatter [tilespmem:s11], [sflag:$0x1], $0x200, $0x38;
	[tilespmem:$0x1400] =	vst v63  }
0x111: {  	_ =	swait.ge [sflag:s9], $0x200  }
0x112: {  	[sflag:s9] =	ssyncset.done $0x0  }
0x113: {  	[sflag:s9] =	ssyncadd.s32 $0xFFFFFE00  }
0x114: {  	_ =	sfence.sel $0x180000  }
0x115: {  	[bflag:$0x0] =	sbarrier.arrive $0xFFFF  }
0x116: {  	p0 =	sne.s32 s1, $0x0;
	_ =	strace $0x9000004A  }
0x117: {  	s0 =	sadd.s32 @!p0 $0x100000, s0;
	[bflag:$0x2] =	sbarrier.arrive $0xFFFF  }
0x118: {  	[sflag:s0] =	ssyncadd.tile.s32 @!p0 $0x1;
	_ =	shalt  }
.Lfunc_end2:
_tile_overlayer_lowered:
.L_overlay_start_2:
0x119: {  	(tag) =	ssettag $0x2  }
0x11a: {  	s0 =	rddreg [dreg:$0x0];
	s2 =	stileid.u32  }
0x11b: {  	s1 =	rddreg [dreg:$0x1];
	p0 =	sne.s32 s2, $0x0  }
0x11c: {  	s3 =	rddreg [dreg:$0x2];
	[bflag:$0x3] =	sbarrier.arrive $0xFFFF;
	s2 =	simm.s32 @!p0 $0x1C01  }
0x11d: {  	[timem:s3], [sflag:s2] =	dma.local @!p0 [hbm:s0], s1  }
0x11e: {  	s0 =	simm.s32 @!p0 $0x1  }
0x11f: {  	_ =	swait.ge @!p0 [sflag:s0], s1  }
0x120: {  	s1 =	ssub.s32 @!p0 $0x0, s1;
	[sflag:s0] =	ssyncset.done @!p0 $0x0  }
0x121: {  	[sflag:s0] =	ssyncadd.s32 @!p0 s1  }
0x122: {  	[bflag:$0x3] =	sbarrier.arrive $0xFFFF  }
0x123: {  	_ =	shalt  }

// kernel: kernel.9.cloned.1.call-start
scs
__scs_entry_jumppad:
0x0: {  	(pc) =	sbr.rel $0x88, $3  }
0x1: {  	(tag) =	ssettag $0x0;
	lr =	simm.s32 $0x1  }
0x2: {  	[smem:$0x3F9E] =	sst lr;
	_ =	strace $0xD0000000  }
0x3: {  	_ = 	snop  }
0x4: {  	_ = 	snop  }
0x5: {  	_ = 	snop  }
0x6: {  	_ = 	snop  }
0x7: {  	_ = 	snop  }
__scs_overlays_trampoline_lowered:
0x8: {  	[smem:$0x3FAD] =	sst s0  }
0x9: {  	[smem:$0x3FAE] =	sst s1  }
0xa: {  	[smem:$0x3FAF] =	sst s2  }
0xb: {  	[smem:$0x3FB0] =	sst s3  }
0xc: {  	[smem:$0x3FB1] =	sst s4  }
0xd: {  	[smem:$0x3FB2] =	sst s5  }
0xe: {  	[smem:$0x3FB3] =	sst s6  }
0xf: {  	[smem:$0x3FB4] =	sst s7  }
0x10: {  	[smem:$0x3FB5] =	sst s8  }
0x11: {  	[smem:$0x3FB6] =	sst s9;
	s0 =	simm.s32 @!p0 $0x0  }
0x12: {  	s1 =	sld [smem:$0x3F9C];
	s0 =	simm.s32 @p0 $0x1  }
0x13: {  	[smem:$0x3FB7] =	sst s0;
	s0 =	simm.s32 @!p1 $0x0  }
0x14: {  	s2 =	sld [smem:$0x3F9B];
	s0 =	simm.s32 @p1 $0x1  }
0x15: {  	[smem:$0x3FB8] =	sst s0;
	s0 =	simm.s32 @!p2 $0x0  }
0x16: {  	s3 =	sld [smem:$0x3FDB];
	s0 =	simm.s32 @p2 $0x1  }
0x17: {  	s4 =	simm.s32 $0x1BF5;
	[smem:$0x3FBA] =	sst s0  }
0x18: {  	s0 =	sld [smem:$0x3F9D];
	_ =	swait.ge [sflag:s4], $0x0  }
0x19: {  	s7 =	sld [smem:$0x3F9E]  }
0x1a: {  	s8 =	sadd.s32 $0xFFFFE003, lr  }
0x1b: {  	s9 =	sadd.s32 $0xFFFFFEF7, lr;
	s5 =	simm.s32 $0xFFFFFFFF;
	p2 =	slt.u32 s8, $0xFFFFF086  }
0x1c: {  	p1 =	slt.u32 s9, $0xF7A;
	s5 =	simm.s32 @!p2 $0x0  }
0x1d: {  	s5 =	simm.s32 @p1 $0x1;
	p0 =	seq.s32 s7, s2  }
0x1e: {  	s7 =	smul.u32 @!p0 $0xF7A, s2;
	p2 =	seq.s32 @!p0 s5, $0x0  }
0x1f: {  	s9 =	smul.u32 $0xF7A, s1;
	s8 =	simm.s32 @!p0 $0x1BF5;
	p2 =	por !p2, p0  }
0x20: {  	[sflag:s8] =	ssyncset.s32 @!p0 $0xFFFFF086;
	s6 =	sadd.s32 @!p0 s3, s7;
	s7 =	simm.s32 @!p0 $0x108  }
0x21: {  	s3 =	sadd.s32 s3, s9;
	s6 =	sadd.s32 @!p0 $0x88, s6;
	s7 =	simm.s32 @p2 $0x1082  }
0x22: {  	[simem:s7], [sflag:s8] =	dma.local @!p0 [hbm:s6], $0xF7A  }
0x23: {  	s9 =	sor.u32 $0xD0000000, s2;
	s6 =	simm.s32 $0x108;
	_ =	swait.ge @!p0 [sflag:s8], $0x0  }
0x24: {  	s3 =	sadd.s32 $0x88, s3;
	s6 =	simm.s32 @!p1 $0x1082;
	[sflag:s4] =	ssyncset.s32 $0xFFFFF086  }
0x25: {  	[simem:s6], [sflag:s4] =	dma.local [hbm:s3], $0xF7A  }
0x26: {  	[smem:$0x3F9E] =	sst s1;
	(tag) =	ssettag s2;
	_ =	strace s9  }
0x27: {  	s1 =	sld [smem:$0x3FAE]  }
0x28: {  	s2 =	sld [smem:$0x3FAF]  }
0x29: {  	s4 =	sld [smem:$0x3FB1]  }
0x2a: {  	p0 =	seq.s32 s5, $0x0;
	s5 =	sld [smem:$0x3FB2]  }
0x2b: {  	s6 =	sld [smem:$0x3FB3]  }
0x2c: {  	s7 =	sld [smem:$0x3FB4]  }
0x2d: {  	s3 =	simm.s32 $0x108;
	s8 =	sld [smem:$0x3FB5]  }
0x2e: {  	s3 =	simm.s32 @!p0 $0x1082;
	s9 =	sld [smem:$0x3FB6]  }
0x2f: {  	lr =	sadd.s32 s0, s3;
	s0 =	sld [smem:$0x3FAD]  }
0x30: {  	s3 =	sld [smem:$0x3FB0]  }
0x31: {  	[smem:$0x3FB9] =	sst s10  }
0x32: {  	s10 =	sld [smem:$0x3FB7];
	_ =	sdelay $0x3  }
0x33: {  	p0 =	seq.s32 s10, $0x1;
	s10 =	sld [smem:$0x3FB9];
	_ =	sdelay $0x3  }
0x34: {  	[smem:$0x3FB9] =	sst s10  }
0x35: {  	s10 =	sld [smem:$0x3FB8];
	_ =	sdelay $0x3  }
0x36: {  	p1 =	seq.s32 s10, $0x1;
	s10 =	sld [smem:$0x3FB9];
	_ =	sdelay $0x3  }
0x37: {  	[smem:$0x3FB9] =	sst s10  }
0x38: {  	s10 =	sld [smem:$0x3FBA]  }
0x39: {  	_ = 	snop;
	(pc) =	sbr.ind lr, $3  }
0x3a: {  	_ = 	snop  }
0x3b: {  	_ = 	snop  }
0x3c: {  	p2 =	seq.s32 s10, $0x1;
	s10 =	sld [smem:$0x3FB9]  }
0x3d: {  	_ =	shalt  }
0x3e: {  	_ =	shalt  }
0x3f: {  	_ =	shalt  }
0x40: {  	_ =	shalt  }
0x41: {  	_ =	shalt  }
0x42: {  	_ =	shalt  }
0x43: {  	_ =	shalt  }
0x44: {  	_ =	shalt  }
0x45: {  	_ =	shalt  }
0x46: {  	_ =	shalt  }
0x47: {  	_ =	shalt  }
0x48: {  	_ =	shalt  }
0x49: {  	_ =	shalt  }
0x4a: {  	_ =	shalt  }
0x4b: {  	_ =	shalt  }
0x4c: {  	_ =	shalt  }
0x4d: {  	_ =	shalt  }
0x4e: {  	_ =	shalt  }
0x4f: {  	_ =	shalt  }
0x50: {  	_ =	shalt  }
0x51: {  	_ =	shalt  }
0x52: {  	_ =	shalt  }
0x53: {  	_ =	shalt  }
0x54: {  	_ =	shalt  }
0x55: {  	_ =	shalt  }
0x56: {  	_ =	shalt  }
0x57: {  	_ =	shalt  }
0x58: {  	_ =	shalt  }
0x59: {  	_ =	shalt  }
0x5a: {  	_ =	shalt  }
0x5b: {  	_ =	shalt  }
0x5c: {  	_ =	shalt  }
0x5d: {  	_ =	shalt  }
0x5e: {  	_ =	shalt  }
0x5f: {  	_ =	shalt  }
0x60: {  	_ =	shalt  }
0x61: {  	_ =	shalt  }
0x62: {  	_ =	shalt  }
0x63: {  	_ =	shalt  }
0x64: {  	_ =	shalt  }
0x65: {  	_ =	shalt  }
0x66: {  	_ =	shalt  }
0x67: {  	_ =	shalt  }
0x68: {  	_ =	shalt  }
0x69: {  	_ =	shalt  }
0x6a: {  	_ =	shalt  }
0x6b: {  	_ =	shalt  }
0x6c: {  	_ =	shalt  }
0x6d: {  	_ =	shalt  }
0x6e: {  	_ =	shalt  }
0x6f: {  	_ =	shalt  }
0x70: {  	_ =	shalt  }
0x71: {  	_ =	shalt  }
0x72: {  	_ =	shalt  }
0x73: {  	_ =	shalt  }
0x74: {  	_ =	shalt  }
0x75: {  	_ =	shalt  }
0x76: {  	_ =	shalt  }
0x77: {  	_ =	shalt  }
0x78: {  	_ =	shalt  }
0x79: {  	_ =	shalt  }
0x7a: {  	_ =	shalt  }
0x7b: {  	_ =	shalt  }
0x7c: {  	_ =	shalt  }
0x7d: {  	_ =	shalt  }
0x7e: {  	_ =	shalt  }
0x7f: {  	_ =	shalt  }
0x80: {  	_ =	shalt  }
0x81: {  	_ =	shalt  }
0x82: {  	_ =	shalt  }
0x83: {  	_ =	shalt  }
0x84: {  	_ =	shalt  }
0x85: {  	_ =	shalt  }
0x86: {  	_ =	shalt  }
0x87: {  	_ =	shalt  }
.Lfunc_end0:
.L_simem_size_0:
called_computation.1_lowered:
.L_overlay_start_0:
0x88: {  	s2 =	sld [smem:$0x3FD9]  }
0x89: {  	s3 =	sld [smem:$0x3FFE];
	_ =	sdelay $0x1  }
0x8a: {  	s1 =	srdreg.scid  }
0x8b: {  	s0 =	sand.u32 $0x1, s1  }
0x8c: {  	s16 =	sshll.u32 s0, $0xA;
	s2 =	sadd.s32 s3, s2  }
0x8d: {  	s2 =	sadd.s32 s2, s16  }
0x8e: {  	[smem:$0x3FC5] =	sst s2  }
0x8f: {  	_ = 	snop  }
0x90: {  	(tm) =	ssettm $0x1  }
0x91: {  	s17 =	sld [smem:$0x3FFB];
	_ =	sdelay $0x3  }
0x92: {  	_ =	strace s17  }
0x93: {  	s2 =	sld [smem:$0x3FFC];
	_ =	sdelay $0x3  }
0x94: {  	_ =	strace s2  }
0x95: {  	s2 =	sld [smem:$0x3FFD];
	_ =	sdelay $0x3  }
0x96: {  	_ =	strace s2  }
0x97: {  	_ =	strace $0x8FFFFFFF  }
0x98: {  	s18 =	sld [smem:$0x3FDB];
	_ =	sdelay $0x1  }
0x99: {  	s19 =	simm.s32 $_scs_section_size  }
0x9a: {  	s4 =	simm.s32 $_size__tile_overlayer_lowered;
	s5 =	simm.s32 $_tile_overlayer_lowered  }
0x9b: {  	s22 =	simm.s32 $0x1BFF;
	s21 =	sshll.u32 s5, $0x1;
	s2 =	sadd.s32 s19, s18  }
0x9c: {  	s6 =	simm.s32 $0x0;
	s20 =	sshll.u32 s4, $0x1;
	s4 =	sadd.s32 s21, s2  }
0x9d: {  	[timem:s6], [sflag:s22] =	dma.local [hbm:s4], s20  }
0x9e: {  	_ =	swait.ge [sflag:s22], s20  }
0x9f: {  	s3 =	ssub.s32 $0x0, s20;
	[sflag:s22] =	ssyncset.done $0x0  }
0xa0: {  	[sflag:s22] =	ssyncadd.s32 s3;
	_ =	sdelay $0x1  }
0xa1: {  	s23 =	simm.s32 $0x1B8B  }
0xa2: {  	_ =	swait.ge [sflag:s23], $0x1  }
0xa3: {  	[sflag:s23] =	ssyncset.done $0x0  }
0xa4: {  	s25 =	simm.s32 $0x1B8E;
	s24 =	sld [smem:$0x3FFE];
	[sflag:s23] =	ssyncadd.s32 $0xFFFFFFFF  }
0xa5: {  	s26 =	simm.s32 $execute0_lowered;
	[smem:$0x3FD2] =	sst s25  }
0xa6: {  	s4 =	sshll.u32 s26, $0x1;
	_ =	strace $0x80000046;
	[dreg:$0x1] =	wrdreg $0xFFFFFFFF  }
0xa7: {  	s28 =	simm.s32 $_size_execute0_lowered;
	s2 =	sadd.s32 s2, s4;
	[dreg:$0x0] =	wrdreg $0x0  }
0xa8: {  	s4 =	sshll.u32 s28, $0x1;
	[dreg:$0x2] =	wrdreg s2  }
0xa9: {  	[dreg:$0x3] =	wrdreg s4  }
0xaa: {  	[dreg:$0x4] =	wrdreg $0xC0  }
0xab: {  	_ =	task [dreg:s6], $0x5FFFF  }
0xac: {  	[dreg:$0x1] =	wrdreg $0xFFFFFFFF  }
0xad: {  	[dreg:$0x0] =	wrdreg $0x60  }
0xae: {  	[dreg:$0x2] =	wrdreg s24  }
0xaf: {  	[dreg:$0x3] =	wrdreg $0xA  }
0xb0: {  	_ =	task.clear_ibuf [dreg:s6], $0x4FFFF;
	_ =	strace $0x90000046  }
0xb1: {  	s29 =	simm.s32 $0xA;
	_ =	strace $0x80000048  }
0xb2: {  	_ =	swait.ge [sflag:s29], $0x1  }
0xb3: {  	[sflag:s29] =	ssyncadd.s32 $0xFFFFFFFF  }
0xb4: {  	_ =	strace $0x90000048  }
0xb5: {  	_ =	sfence  }
0xb6: {  	s30 =	sld [smem:$0x0];
	_ =	sdelay $0x2  }
0xb7: {  	s31 =	sshll.u32 s1, $0xD;
	s1 =	sshrl.u32 s1, $0x2  }
0xb8: {  	s3 =	sand.u32 $0x4000, s31;
	s1 =	sadd.s32 s1, s30  }
0xb9: {  	s0 =	sor.u32 s3, s0;
	s1 =	sshll.u32 s1, $0x11  }
0xba: {  	s0 =	sor.u32 s1, s0  }
0xbb: {  	s0 =	sadd.s32 $0x8F2B, s0  }
0xbc: {  	[sflag:s0] =	ssyncadd.remote.s32 $0x1  }
0xbd: {  	_ =	sfence.sel $0xFFFF  }
0xbe: {  	[dreg:$0x0] =	wrdreg $0xFFFFFFFF;
	(pc) =	sbr.abs _section_cstart, $3  }
0xbf: {  	[dreg:$0x1] =	wrdreg $0xFFFFFFFF  }
0xc0: {  	_ =	task.clear_ibuf [dreg:s6], $0x2FFFF;
	_ =	strace $0x9FFFFFFF  }
0xc1: {  	(tm) =	ssettm $0x7FFFFFFF  }
tec
execute0_lowered:
.L_overlay_start_1:
0x0: {  	(tag) =	ssettag $0x1  }
0x1: {  	s3 =	rddreg [dreg:$0x0]  }
0x2: {  	s0 =	rddreg [dreg:$0x1];
	s4 =	srdreg.scid  }
0x3: {  	s2 =	simm.s32 $0x0;
	s1 =	stileid.u32;
	s8 =	simm.s32 $0x10000  }
0x4: {  	s9 =	simm.s32 $0x1;
	s10 =	simm.s32 $0x1000;
	s11 =	simm.s32 $0x1200  }
0x5: {  	s12 =	simm.s32 $0x0;
	s4 =	sand.u32 $0x1, s4;
	[smem:$0x7FF] =	sst s2  }
0x6: {  	s5 =	sshll.u32 s1, $0x9;
	s6 =	sshll.u32 s4, $0x8;
	s4 =	ssub.s32 $0x2, s4  }
0x7: {  	_ =	strace $0x80000047;
	s5 =	sor.u32 s6, s5;
	s7 =	sshrl.u32 s4, $0x1  }
0x8: {  	s6 =	sadd.s32 s5, s3;
	s5 =	sshrl.u32 s5, $0x2;
	s7 =	ssub.s32 s4, s7  }
0x9: {  	s5 =	sadd.s32 s5, s3;
	s3 =	sadd.s32 $0x1600, s6;
	s6 =	smax.u32 s7, $0x1  }
0xa: {  	v0 =	vimm.s32 $0x0;
	s7 =	simm.s32 $0x800;
	s4 =	sadd.s32 $0x5600, s5;
	s5 =	sadd.s32 $0x5E00, s5  }
.LBB2_1:
0xb: {  	[tilespmem:s2], [sflag:$0x1] =	stream.strided.gather [hbm4b:s3+s7], $0x1000, s8, s7, $0x38;
	[tilespmem:$0x1400] =	vst v63  }
0xc: {  	s14 =	simm.s32 $0x0;
	_ =	swait.ge [sflag:s9], $0x1000  }
0xd: {  	s13 =	sand.u32 $0x70, s2;
	s14 =	sand.u32 $0x3FFFFC00, s14;
	[sflag:s9] =	ssyncset.done $0x0  }
0xe: {  	s14 =	sor.u32 s13, s14;
	[sflag:s9] =	ssyncadd.s32 $0xFFFFF000  }
0xf: {  	v1 =	vld [tilespmem:s14+$0x80]  }
0x10: {  	v2 =	vld [tilespmem:s14+$0x0];
	_ =	sdelay $0x3  }
0x11: {  	v4 =	vimm.s32 $0x0  }
0x12: {  	v3 =	vld [tilespmem:s14+$0x100];
	vm0 =	vlt.f32 v1, $-Inf;
	vm1 =	vgt.f32 v1, $-Inf;
	vm2 =	vgt.f32 v1, v2  }
0x13: {  	v32 =	vimm.s32 $0x0;
	v4 =	vsel vm2, $0xFFFFFFFF, v4;
	vm0 =	vmor vm1, vm0  }
0x14: {  	v33 =	vimm.s32 $0x0;
	vm10 =	vmneg vm2;
	[tilespmem:$0x1FF10] =	vst v4;
	v4 =	vsel vm0, $0xFFFFFFFF, v32  }
0x15: {  	v34 =	vnsel vm0, $0xFF800000, v1;
	[tilespmem:$0x1FF00] =	vst v4;
	v4 =	vsel vm10, $0xFFFFFFFF, v33  }
0x16: {  	v5 =	vld [tilespmem:s14+$0x180];
	[tilespmem:$0x1FEF0] =	vst v4;
	v4 =	vsel vm10, v34, v2  }
0x17: {  	v1 =	vsel vm10, v2, v1;
	v2 =	vimm.s32 $0x0;
	vm11 =	vgt.f32 v3, v4  }
0x18: {  	v2 =	vsel vm11, $0xFFFFFFFF, v2  }
0x19: {  	vm12 =	vgt.f32 v3, v1;
	[tilespmem:$0x1FF20] =	vst v2;
	v2 =	vsel vm11, v3, v4  }
0x1a: {  	v35 =	vld [tilespmem:s14+$0x200];
	v2 =	vsel vm12, v1, v2  }
0x1b: {  	v1 =	vsel vm12, v3, v1;
	v3 =	vimm.s32 $0x0;
	vm14 =	vgt.f32 v5, v2  }
0x1c: {  	v3 =	vsel vm14, $0xFFFFFFFF, v3  }
0x1d: {  	vm10 =	vgt.f32 v5, v1;
	v2 =	vsel vm14, v5, v2;
	[tilespmem:$0x1FF30] =	vst v3;
	v3 =	vld [tilespmem:s14+$0x280]  }
0x1e: {  	v2 =	vsel vm10, v1, v2  }
0x1f: {  	v1 =	vsel vm10, v5, v1;
	vm15 =	vgt.f32 v35, v2  }
0x20: {  	v37 =	vld [tilespmem:s14+$0x300];
	vm8 =	vgt.f32 v35, v1;
	v2 =	vsel vm15, v35, v2  }
0x21: {  	v2 =	vsel vm8, v1, v2  }
0x22: {  	v1 =	vsel vm8, v35, v1;
	vm4 =	vgt.f32 v3, v2  }
0x23: {  	vm9 =	vgt.f32 v3, v1;
	v2 =	vsel vm4, v3, v2  }
0x24: {  	v39 =	vld [tilespmem:s14+$0x380];
	v2 =	vsel vm9, v1, v2  }
0x25: {  	v1 =	vsel vm9, v3, v1;
	v3 =	vimm.s32 $0x0;
	vm5 =	vgt.f32 v37, v2  }
0x26: {  	v3 =	vsel vm5, $0xFFFFFFFF, v3  }
0x27: {  	vm11 =	vgt.f32 v37, v1;
	v2 =	vsel vm5, v37, v2;
	[tilespmem:$0x1FF60] =	vst v3;
	v3 =	vld [tilespmem:s14+$0x800]  }
0x28: {  	v2 =	vsel vm11, v1, v2  }
0x29: {  	v1 =	vsel vm11, v37, v1;
	vm6 =	vgt.f32 v39, v2  }
0x2a: {  	v41 =	vld [tilespmem:s14+$0x880];
	vm13 =	vgt.f32 v39, v1;
	v2 =	vsel vm6, v39, v2  }
0x2b: {  	v36 =	vimm.s32 $0x0;
	v2 =	vsel vm13, v1, v2  }
0x2c: {  	v38 =	vimm.s32 $0x0;
	v1 =	vsel vm13, v39, v1;
	vm7 =	vgt.f32 v3, v2  }
0x2d: {  	v5 =	vsel vm15, $0xFFFFFFFF, v36;
	vm15 =	vgt.f32 v3, v1;
	v2 =	vsel vm7, v3, v2  }
0x2e: {  	v43 =	vld [tilespmem:s14+$0x900];
	v4 =	vsel vm4, $0xFFFFFFFF, v38;
	v2 =	vsel vm15, v1, v2  }
0x2f: {  	v1 =	vsel vm15, v3, v1;
	v3 =	vimm.s32 $0x0;
	vm14 =	vgt.f32 v41, v2  }
0x30: {  	v42 =	vimm.s32 $0x0;
	[tilespmem:$0x1FF50] =	vst v4;
	v3 =	vsel vm14, $0xFFFFFFFF, v3  }
0x31: {  	v4 =	vsel vm7, $0xFFFFFFFF, v42;
	vm7 =	vgt.f32 v41, v1;
	v2 =	vsel vm14, v41, v2;
	[tilespmem:$0x1FF90] =	vst v3;
	v3 =	vld [tilespmem:s14+$0x980]  }
0x32: {  	v2 =	vsel vm7, v1, v2  }
0x33: {  	v40 =	vimm.s32 $0x0;
	v1 =	vsel vm7, v41, v1;
	vm4 =	vgt.f32 v43, v2  }
0x34: {  	v45 =	vld [tilespmem:s14+$0xA00];
	[tilespmem:$0x1FF40] =	vst v5;
	v5 =	vsel vm6, $0xFFFFFFFF, v40;
	vm6 =	vgt.f32 v43, v1;
	v2 =	vsel vm4, v43, v2  }
0x35: {  	v2 =	vsel vm6, v1, v2  }
0x36: {  	v44 =	vimm.s32 $0x0;
	v1 =	vsel vm6, v43, v1;
	vm5 =	vgt.f32 v3, v2  }
0x37: {  	[tilespmem:$0x1FF70] =	vst v5;
	v5 =	vsel vm4, $0xFFFFFFFF, v44;
	vm4 =	vgt.f32 v3, v1;
	v2 =	vsel vm5, v3, v2  }
0x38: {  	v47 =	vld [tilespmem:s14+$0xA80];
	v2 =	vsel vm4, v1, v2  }
0x39: {  	v1 =	vsel vm4, v3, v1;
	v3 =	vimm.s32 $0x0;
	vm14 =	vgt.f32 v45, v2  }
0x3a: {  	v3 =	vsel vm14, $0xFFFFFFFF, v3  }
0x3b: {  	vm2 =	vgt.f32 v45, v1;
	v2 =	vsel vm14, v45, v2;
	[tilespmem:$0x1FFC0] =	vst v3;
	v3 =	vld [tilespmem:s14+$0xB00]  }
0x3c: {  	v46 =	vimm.s32 $0x0;
	v2 =	vsel vm2, v1, v2  }
0x3d: {  	[tilespmem:$0x1FF80] =	vst v4;
	v4 =	vsel vm5, $0xFFFFFFFF, v46;
	v1 =	vsel vm2, v45, v1;
	vm5 =	vgt.f32 v47, v2  }
0x3e: {  	v49 =	vld [tilespmem:s14+$0xB80];
	vm1 =	vgt.f32 v47, v1;
	v2 =	vsel vm5, v47, v2  }
0x3f: {  	v2 =	vsel vm1, v1, v2  }
0x40: {  	v1 =	vsel vm1, v47, v1;
	vm14 =	vgt.f32 v3, v2  }
0x41: {  	v48 =	vimm.s32 $0x0;
	vm3 =	vgt.f32 v3, v1;
	v2 =	vsel vm14, v3, v2  }
0x42: {  	[tilespmem:$0x1FFA0] =	vst v5;
	v5 =	vsel vm5, $0xFFFFFFFF, v48;
	v2 =	vsel vm3, v1, v2  }
0x43: {  	v1 =	vsel vm3, v3, v1;
	v3 =	vimm.s32 $0x0;
	vm5 =	vgt.f32 v49, v2  }
0x44: {  	v3 =	vsel vm5, $0xFFFFFFFF, v3  }
0x45: {  	[tilespmem:$0x1FFF0] =	vst v3;
	v3 =	vld [tilespmem:$0x1FEF0];
	_ =	sdelay $0x4  }
0x46: {  	vm0 =	vnez.u8 v3;
	v3 =	vld [tilespmem:$0x1FF00];
	_ =	sdelay $0x3  }
0x47: {  	v50 =	vimm.s32 $0x0  }
0x48: {  	[tilespmem:$0x1FFB0] =	vst v4;
	v4 =	vsel vm14, $0xFFFFFFFF, v50;
	vm14 =	vnez.u8 v3;
	v3 =	vld [tilespmem:$0x1FF10]  }
0x49: {  	v51 =	vld [tilespmem:$0x1FF20];
	_ =	sdelay $0x1  }
0x4a: {  	v52 =	vld [tilespmem:$0x1FF30];
	v2 =	vsel vm5, v49, v2;
	vm5 =	vgt.f32 v49, v1  }
0x4b: {  	v2 =	vsel vm5, v1, v2;
	v1 =	vsel vm5, v49, v1  }
0x4c: {  	v1 =	vsub.f32 v2, v1;
	vm0 =	vmand vm0, vm14;
	vm14 =	vnez.u8 v3  }
0x4d: {  	v2 =	vsel vm0, $0x1, v0;
	v3 =	vsel vm14, $0x1, v0;
	vm14 =	vnez.u8 v51  }
0x4e: {  	v1 =	vmul.f32 $1.442695020e+00, v1;
	v2 =	vsel vm14, $0x2, v2  }
0x4f: {  	v2 =	vsel vm12, v3, v2;
	v3 =	vsel vm12, $0x2, v3;
	vm12 =	vnez.u8 v52  }
0x50: {  	v2 =	vsel vm12, $0x3, v2  }
0x51: {  	(erf) = vpow2.f32 v1;
	v1 =	vsel vm10, v3, v2;
	v2 =	vsel vm10, $0x3, v3;
	v3 =	vld [tilespmem:$0x1FF40];
	_ =	sdelay $0x4  }
0x52: {  	vm14 =	vnez.u8 v3;
	v3 =	vld [tilespmem:$0x1FF50];
	_ =	sdelay $0x4  }
0x53: {  	vm10 =	vnez.u8 v3;
	v3 =	vld [tilespmem:$0x1FF60];
	_ =	sdelay $0x4  }
0x54: {  	v1 =	vsel vm14, $0x4, v1;
	vm12 =	vnez.u8 v3;
	v3 =	vld [tilespmem:$0x1FF70]  }
0x55: {  	v1 =	vsel vm8, v2, v1  }
0x56: {  	v53 =	vld [tilespmem:$0x1FF80];
	v2 =	vsel vm8, $0x4, v2;
	v1 =	vsel vm10, $0x5, v1  }
0x57: {  	v1 =	vsel vm9, v2, v1  }
0x58: {  	v55 =	vld [tilespmem:$0x1FF90];
	v2 =	vsel vm9, $0x5, v2;
	v1 =	vsel vm12, $0x6, v1  }
0x59: {  	v1 =	vsel vm11, v2, v1;
	vm14 =	vnez.u8 v3  }
0x5a: {  	v56 =	vld [tilespmem:$0x1FFA0];
	v2 =	vsel vm11, $0x6, v2;
	v1 =	vsel vm14, $0x7, v1  }
0x5b: {  	vm8 =	vnez.u8 v53;
	v3 =	vpop (erf);
	v1 =	vsel vm13, v2, v1  }
0x5c: {  	v57 =	vld [tilespmem:$0x1FFB0];
	v54 =	vadd.f32 $1.000000000e+00, v3;
	v2 =	vsel vm13, $0x7, v2;
	v1 =	vsel vm8, $0x8, v1  }
0x5d: {  	vm9 =	vnez.u8 v55;
	v1 =	vsel vm15, v2, v1  }
0x5e: {  	v58 =	vld [tilespmem:$0x1FFC0];
	(erf) = vrcp.f32 v54;
	v2 =	vsel vm15, $0x8, v2;
	v1 =	vsel vm9, $0x9, v1  }
0x5f: {  	[tilespmem:$0x1FFD0] =	vst v5;
	vm10 =	vnez.u8 v56;
	v1 =	vsel vm7, v2, v1  }
0x60: {  	v59 =	vld [tilespmem:$0x1FFD0];
	v2 =	vsel vm7, $0x9, v2;
	v1 =	vsel vm10, $0xA, v1  }
0x61: {  	[tilespmem:$0x1FFE0] =	vst v4;
	vm11 =	vnez.u8 v57;
	v1 =	vsel vm6, v2, v1  }
0x62: {  	v61 =	vld [tilespmem:$0x1FFE0];
	v2 =	vsel vm6, $0xA, v2;
	v1 =	vsel vm11, $0xB, v1  }
0x63: {  	vm12 =	vnez.u8 v58;
	v1 =	vsel vm4, v2, v1  }
0x64: {  	v62 =	vld [tilespmem:$0x1FFF0];
	v2 =	vsel vm4, $0xB, v2;
	v1 =	vsel vm12, $0xC, v1  }
0x65: {  	vm13 =	vnez.u8 v59;
	v1 =	vsel vm2, v2, v1  }
0x66: {  	s30 =	simm.s32 $0x0;
	v2 =	vsel vm2, $0xC, v2;
	v1 =	vsel vm13, $0xD, v1  }
0x67: {  	s14 =	sand.u32 $0xFFFFFF00, s30;
	vm14 =	vnez.u8 v61;
	v60 =	vpop (erf);
	v1 =	vsel vm1, v2, v1  }
0x68: {  	s19 =	sor.u32 s13, s14;
	s31 =	sor.u32 s14, s2;
	v3 =	vmul.f32 v60, v3;
	v2 =	vsel vm1, $0xD, v2;
	v1 =	vsel vm14, $0xE, v1  }
0x69: {  	s17 =	sor.u32 $0x80, s31;
	vm15 =	vnez.u8 v62;
	[tilespmem:s19+$0x1000] =	vst v60;
	v1 =	vsel vm3, v2, v1;
	v2 =	vsel vm3, $0xE, v2  }
0x6a: {  	s18 =	simm.s32 $0x80;
	s16 =	simm.s32 $0x2;
	s13 =	simm.s32 $0x10;
	[tilespmem:s17+$0x1000] =	vst v3;
	v1 =	vsel vm15, $0xF, v1;
	v63 =	vsel vm5, $0xF, v2  }
0x6b: {  	s18 =	sand.u32 $0x3FFFFC00, s18;
	s14 =	simm.s32 $0x1;
	s15 =	sand.u32 $0x70, s13;
	v1 =	vsel vm5, v2, v1;
	[tilespmem:s19+$0x1200] =	vst v63  }
.LBB2_2:
0x6c: {  	p0 =	sne.s32 s16, $0xF  }
0x6d: {  	s18 =	sor.u32 s15, s18;
	[tilespmem:s17+$0x1200] =	vst v1;
	s17 =	smov.u32 s16;
	s16 =	sadd.s32 $0x1, s16  }
0x6e: {  	v1 =	vld [tilespmem:s18+$0x80]  }
0x6f: {  	v2 =	vld [tilespmem:s18+$0x0];
	_ =	sdelay $0x2  }
0x70: {  	v3 =	vld [tilespmem:s18+$0x100]  }
0x71: {  	vm0 =	vlt.f32 v1, $-Inf;
	vm1 =	vgt.f32 v1, $-Inf  }
0x72: {  	vm2 =	vgt.f32 v1, v2;
	vm0 =	vmor vm1, vm0  }
0x73: {  	vm1 =	vmneg vm2;
	v4 =	vnsel vm0, $0xFF800000, v1;
	v5 =	vld [tilespmem:s18+$0x180]  }
0x74: {  	v6 =	vsel vm2, $0x1, v0;
	v4 =	vsel vm1, v4, v2;
	vm0 =	vmand vm1, vm0  }
0x75: {  	v1 =	vsel vm1, v2, v1;
	v7 =	vsel vm0, $0x1, v0;
	vm0 =	vgt.f32 v3, v4  }
0x76: {  	vm1 =	vgt.f32 v3, v1;
	v2 =	vsel vm0, v3, v4;
	v4 =	vsel vm0, $0x2, v7;
	v7 =	vld [tilespmem:s18+$0x200]  }
0x77: {  	v2 =	vsel vm1, v1, v2;
	v4 =	vsel vm1, v6, v4  }
0x78: {  	v1 =	vsel vm1, v3, v1;
	v3 =	vsel vm1, $0x2, v6;
	vm0 =	vgt.f32 v5, v2  }
0x79: {  	vm1 =	vgt.f32 v5, v1;
	v2 =	vsel vm0, v5, v2;
	v4 =	vsel vm0, $0x3, v4;
	v6 =	vld [tilespmem:s18+$0x280]  }
0x7a: {  	v2 =	vsel vm1, v1, v2;
	v4 =	vsel vm1, v3, v4;
	v1 =	vsel vm1, v5, v1  }
0x7b: {  	v3 =	vsel vm1, $0x3, v3;
	vm0 =	vgt.f32 v7, v2  }
0x7c: {  	vm1 =	vgt.f32 v7, v1;
	v2 =	vsel vm0, v7, v2;
	v4 =	vsel vm0, $0x4, v4;
	v5 =	vld [tilespmem:s18+$0x300]  }
0x7d: {  	v2 =	vsel vm1, v1, v2;
	v4 =	vsel vm1, v3, v4;
	v3 =	vsel vm1, $0x4, v3  }
0x7e: {  	v1 =	vsel vm1, v7, v1;
	vm0 =	vgt.f32 v6, v2  }
0x7f: {  	vm1 =	vgt.f32 v6, v1;
	v2 =	vsel vm0, v6, v2;
	v4 =	vsel vm0, $0x5, v4;
	v7 =	vld [tilespmem:s18+$0x380]  }
0x80: {  	v2 =	vsel vm1, v1, v2;
	v4 =	vsel vm1, v3, v4;
	v1 =	vsel vm1, v6, v1  }
0x81: {  	v3 =	vsel vm1, $0x5, v3;
	vm0 =	vgt.f32 v5, v2  }
0x82: {  	vm1 =	vgt.f32 v5, v1;
	v2 =	vsel vm0, v5, v2;
	v4 =	vsel vm0, $0x6, v4;
	v6 =	vld [tilespmem:s18+$0x800]  }
0x83: {  	v2 =	vsel vm1, v1, v2;
	v4 =	vsel vm1, v3, v4;
	v1 =	vsel vm1, v5, v1  }
0x84: {  	v3 =	vsel vm1, $0x6, v3;
	vm0 =	vgt.f32 v7, v2  }
0x85: {  	vm1 =	vgt.f32 v7, v1;
	v2 =	vsel vm0, v7, v2;
	v4 =	vsel vm0, $0x7, v4;
	v5 =	vld [tilespmem:s18+$0x880]  }
0x86: {  	v2 =	vsel vm1, v1, v2;
	v4 =	vsel vm1, v3, v4  }
0x87: {  	v1 =	vsel vm1, v7, v1;
	vm0 =	vgt.f32 v6, v2  }
0x88: {  	vm2 =	vgt.f32 v6, v1;
	v2 =	vsel vm0, v6, v2;
	v4 =	vsel vm0, $0x8, v4;
	v7 =	vld [tilespmem:s18+$0x900]  }
0x89: {  	v3 =	vsel vm1, $0x7, v3;
	v2 =	vsel vm2, v1, v2  }
0x8a: {  	v4 =	vsel vm2, v3, v4;
	v1 =	vsel vm2, v6, v1;
	vm0 =	vgt.f32 v5, v2  }
0x8b: {  	vm1 =	vgt.f32 v5, v1;
	v2 =	vsel vm0, v5, v2;
	v4 =	vsel vm0, $0x9, v4;
	v6 =	vld [tilespmem:s18+$0x980]  }
0x8c: {  	v3 =	vsel vm2, $0x8, v3;
	v2 =	vsel vm1, v1, v2;
	v1 =	vsel vm1, v5, v1  }
0x8d: {  	v4 =	vsel vm1, v3, v4;
	v3 =	vsel vm1, $0x9, v3;
	vm0 =	vgt.f32 v7, v2  }
0x8e: {  	vm1 =	vgt.f32 v7, v1;
	v2 =	vsel vm0, v7, v2;
	v4 =	vsel vm0, $0xA, v4;
	v5 =	vld [tilespmem:s18+$0xA00]  }
0x8f: {  	v2 =	vsel vm1, v1, v2;
	v4 =	vsel vm1, v3, v4;
	v1 =	vsel vm1, v7, v1  }
0x90: {  	v3 =	vsel vm1, $0xA, v3;
	vm0 =	vgt.f32 v6, v2  }
0x91: {  	vm1 =	vgt.f32 v6, v1;
	v2 =	vsel vm0, v6, v2;
	v4 =	vsel vm0, $0xB, v4;
	v7 =	vld [tilespmem:s18+$0xA80]  }
0x92: {  	v2 =	vsel vm1, v1, v2;
	v4 =	vsel vm1, v3, v4  }
0x93: {  	v1 =	vsel vm1, v6, v1;
	v3 =	vsel vm1, $0xB, v3;
	vm0 =	vgt.f32 v5, v2  }
0x94: {  	vm1 =	vgt.f32 v5, v1;
	v2 =	vsel vm0, v5, v2;
	v4 =	vsel vm0, $0xC, v4;
	v6 =	vld [tilespmem:s18+$0xB00]  }
0x95: {  	v2 =	vsel vm1, v1, v2;
	v4 =	vsel vm1, v3, v4  }
0x96: {  	v1 =	vsel vm1, v5, v1;
	v3 =	vsel vm1, $0xC, v3;
	vm0 =	vgt.f32 v7, v2  }
0x97: {  	vm1 =	vgt.f32 v7, v1;
	v2 =	vsel vm0, v7, v2;
	v4 =	vsel vm0, $0xD, v4;
	v5 =	vld [tilespmem:s18+$0xB80]  }
0x98: {  	v2 =	vsel vm1, v1, v2;
	v4 =	vsel vm1, v3, v4;
	v1 =	vsel vm1, v7, v1  }
0x99: {  	v3 =	vsel vm1, $0xD, v3;
	vm0 =	vgt.f32 v6, v2  }
0x9a: {  	vm1 =	vgt.f32 v6, v1;
	v2 =	vsel vm0, v6, v2;
	v4 =	vsel vm0, $0xE, v4  }
0x9b: {  	v6 =	vsel vm1, v6, v1;
	v2 =	vsel vm1, v1, v2;
	v4 =	vsel vm1, v3, v4  }
0x9c: {  	v3 =	vsel vm1, $0xE, v3;
	vm1 =	vgt.f32 v5, v2  }
0x9d: {  	vm0 =	vgt.f32 v5, v6;
	v1 =	vsel vm1, v5, v2;
	v2 =	vsel vm1, $0xF, v4  }
0x9e: {  	v4 =	vsel vm0, v6, v1;
	v1 =	vsel vm0, v3, v2;
	v2 =	vsel vm0, v5, v6  }
0x9f: {  	v2 =	vsub.f32 v4, v2;
	_ =	sdelay $0x1  }
0xa0: {  	v2 =	vmul.f32 $1.442695020e+00, v2;
	_ =	sdelay $0x1  }
0xa1: {  	(erf) = vpow2.f32 v2;
	_ =	sdelay $0x8  }
0xa2: {  	v2 =	vpop (erf)  }
0xa3: {  	v4 =	vadd.f32 $1.000000000e+00, v2;
	_ =	sdelay $0x1  }
0xa4: {  	(erf) = vrcp.f32 v4;
	_ =	sdelay $0x6  }
0xa5: {  	s18 =	sshll.u32 s14, $0x5;
	s14 =	smov.u32 s17  }
0xa6: {  	s17 =	sand.u32 $0xFFFFFF00, s18  }
.Ltmp0:
0xa7: {  	s19 =	sor.u32 s15, s17;
	s15 =	sor.u32 s17, s13;
	v4 =	vpop (erf);
	(pc) =	sbr.rel @p0 .LBB2_2-.Ltmp0, $4  }
0xa8: {  	[tilespmem:s19+$0x1000] =	vst v4;
	v2 =	vmul.f32 v4, v2  }
0xa9: {  	s17 =	sor.u32 $0x80, s15  }
0xaa: {  	s18 =	sshll.u32 s14, $0x7;
	s13 =	sadd.s32 $0x10, s13;
	v3 =	vsel vm0, $0xF, v3;
	[tilespmem:s17+$0x1000] =	vst v2  }
0xab: {  	s18 =	sand.u32 $0x3FFFFC00, s18;
	s15 =	sand.u32 $0x70, s13;
	[tilespmem:s19+$0x1200] =	vst v3  }
0xac: {  	s16 =	sor.u32 s15, s18;
	[tilespmem:s17+$0x1200] =	vst v1  }
0xad: {  	v1 =	vld [tilespmem:s16+$0x80]  }
0xae: {  	v2 =	vld [tilespmem:s16+$0x0];
	_ =	sdelay $0x3  }
0xaf: {  	v4 =	vimm.s32 $0x0  }
0xb0: {  	v3 =	vld [tilespmem:s16+$0x100];
	vm0 =	vlt.f32 v1, $-Inf;
	vm1 =	vgt.f32 v1, $-Inf;
	vm2 =	vgt.f32 v1, v2  }
0xb1: {  	v32 =	vimm.s32 $0x0;
	v4 =	vsel vm2, $0xFFFFFFFF, v4;
	vm0 =	vmor vm1, vm0  }
0xb2: {  	v33 =	vimm.s32 $0x0;
	vm10 =	vmneg vm2;
	[tilespmem:$0x1FE00] =	vst v4;
	v4 =	vsel vm0, $0xFFFFFFFF, v32  }
0xb3: {  	v34 =	vnsel vm0, $0xFF800000, v1;
	[tilespmem:$0x1FDF0] =	vst v4;
	v4 =	vsel vm10, $0xFFFFFFFF, v33  }
0xb4: {  	v5 =	vld [tilespmem:s16+$0x180];
	[tilespmem:$0x1FDE0] =	vst v4;
	v4 =	vsel vm10, v34, v2  }
0xb5: {  	v1 =	vsel vm10, v2, v1;
	v2 =	vimm.s32 $0x0;
	vm11 =	vgt.f32 v3, v4  }
0xb6: {  	v2 =	vsel vm11, $0xFFFFFFFF, v2  }
0xb7: {  	vm12 =	vgt.f32 v3, v1;
	[tilespmem:$0x1FE10] =	vst v2;
	v2 =	vsel vm11, v3, v4  }
0xb8: {  	v35 =	vld [tilespmem:s16+$0x200];
	v2 =	vsel vm12, v1, v2  }
0xb9: {  	v1 =	vsel vm12, v3, v1;
	v3 =	vimm.s32 $0x0;
	vm14 =	vgt.f32 v5, v2  }
0xba: {  	v3 =	vsel vm14, $0xFFFFFFFF, v3  }
0xbb: {  	vm10 =	vgt.f32 v5, v1;
	v2 =	vsel vm14, v5, v2;
	[tilespmem:$0x1FE20] =	vst v3;
	v3 =	vld [tilespmem:s16+$0x280]  }
0xbc: {  	v2 =	vsel vm10, v1, v2  }
0xbd: {  	v1 =	vsel vm10, v5, v1;
	vm15 =	vgt.f32 v35, v2  }
0xbe: {  	v37 =	vld [tilespmem:s16+$0x300];
	vm8 =	vgt.f32 v35, v1;
	v2 =	vsel vm15, v35, v2  }
0xbf: {  	v2 =	vsel vm8, v1, v2  }
0xc0: {  	v1 =	vsel vm8, v35, v1;
	vm4 =	vgt.f32 v3, v2  }
0xc1: {  	vm9 =	vgt.f32 v3, v1;
	v2 =	vsel vm4, v3, v2  }
0xc2: {  	v39 =	vld [tilespmem:s16+$0x380];
	v2 =	vsel vm9, v1, v2  }
0xc3: {  	v1 =	vsel vm9, v3, v1;
	v3 =	vimm.s32 $0x0;
	vm5 =	vgt.f32 v37, v2  }
0xc4: {  	v3 =	vsel vm5, $0xFFFFFFFF, v3  }
0xc5: {  	vm11 =	vgt.f32 v37, v1;
	v2 =	vsel vm5, v37, v2;
	[tilespmem:$0x1FE50] =	vst v3;
	v3 =	vld [tilespmem:s16+$0x800]  }
0xc6: {  	v2 =	vsel vm11, v1, v2  }
0xc7: {  	v1 =	vsel vm11, v37, v1;
	vm6 =	vgt.f32 v39, v2  }
0xc8: {  	v41 =	vld [tilespmem:s16+$0x880];
	vm13 =	vgt.f32 v39, v1;
	v2 =	vsel vm6, v39, v2  }
0xc9: {  	v36 =	vimm.s32 $0x0;
	v2 =	vsel vm13, v1, v2  }
0xca: {  	v38 =	vimm.s32 $0x0;
	v1 =	vsel vm13, v39, v1;
	vm7 =	vgt.f32 v3, v2  }
0xcb: {  	v5 =	vsel vm15, $0xFFFFFFFF, v36;
	vm15 =	vgt.f32 v3, v1;
	v2 =	vsel vm7, v3, v2  }
0xcc: {  	v43 =	vld [tilespmem:s16+$0x900];
	v4 =	vsel vm4, $0xFFFFFFFF, v38;
	v2 =	vsel vm15, v1, v2  }
0xcd: {  	v1 =	vsel vm15, v3, v1;
	v3 =	vimm.s32 $0x0;
	vm14 =	vgt.f32 v41, v2  }
0xce: {  	v42 =	vimm.s32 $0x0;
	[tilespmem:$0x1FE40] =	vst v4;
	v3 =	vsel vm14, $0xFFFFFFFF, v3  }
0xcf: {  	v4 =	vsel vm7, $0xFFFFFFFF, v42;
	vm7 =	vgt.f32 v41, v1;
	v2 =	vsel vm14, v41, v2;
	[tilespmem:$0x1FE80] =	vst v3;
	v3 =	vld [tilespmem:s16+$0x980]  }
0xd0: {  	v2 =	vsel vm7, v1, v2  }
0xd1: {  	v40 =	vimm.s32 $0x0;
	v1 =	vsel vm7, v41, v1;
	vm4 =	vgt.f32 v43, v2  }
0xd2: {  	v45 =	vld [tilespmem:s16+$0xA00];
	[tilespmem:$0x1FE30] =	vst v5;
	v5 =	vsel vm6, $0xFFFFFFFF, v40;
	vm6 =	vgt.f32 v43, v1;
	v2 =	vsel vm4, v43, v2  }
0xd3: {  	v2 =	vsel vm6, v1, v2  }
0xd4: {  	v46 =	vimm.s32 $0x0;
	v1 =	vsel vm6, v43, v1;
	vm5 =	vgt.f32 v3, v2  }
0xd5: {  	[tilespmem:$0x1FE70] =	vst v4;
	v4 =	vsel vm5, $0xFFFFFFFF, v46;
	v2 =	vsel vm5, v3, v2;
	vm5 =	vgt.f32 v3, v1  }
0xd6: {  	v47 =	vld [tilespmem:s16+$0xA80];
	v2 =	vsel vm5, v1, v2  }
0xd7: {  	v1 =	vsel vm5, v3, v1;
	v3 =	vimm.s32 $0x0;
	vm14 =	vgt.f32 v45, v2  }
0xd8: {  	v3 =	vsel vm14, $0xFFFFFFFF, v3  }
0xd9: {  	vm2 =	vgt.f32 v45, v1;
	v2 =	vsel vm14, v45, v2;
	[tilespmem:$0x1FEB0] =	vst v3;
	v3 =	vld [tilespmem:s16+$0xB00]  }
0xda: {  	v44 =	vimm.s32 $0x0;
	v2 =	vsel vm2, v1, v2  }
0xdb: {  	[tilespmem:$0x1FE60] =	vst v5;
	v5 =	vsel vm4, $0xFFFFFFFF, v44;
	v1 =	vsel vm2, v45, v1;
	vm4 =	vgt.f32 v47, v2  }
0xdc: {  	v49 =	vld [tilespmem:s16+$0xB80];
	vm1 =	vgt.f32 v47, v1;
	v2 =	vsel vm4, v47, v2  }
0xdd: {  	v2 =	vsel vm1, v1, v2  }
0xde: {  	v1 =	vsel vm1, v47, v1;
	vm14 =	vgt.f32 v3, v2  }
0xdf: {  	v48 =	vimm.s32 $0x0;
	vm3 =	vgt.f32 v3, v1;
	v2 =	vsel vm14, v3, v2  }
0xe0: {  	[tilespmem:$0x1FE90] =	vst v5;
	v5 =	vsel vm4, $0xFFFFFFFF, v48;
	v2 =	vsel vm3, v1, v2  }
0xe1: {  	v1 =	vsel vm3, v3, v1;
	v3 =	vimm.s32 $0x0;
	vm4 =	vgt.f32 v49, v2  }
0xe2: {  	v3 =	vsel vm4, $0xFFFFFFFF, v3  }
0xe3: {  	[tilespmem:$0x1FEE0] =	vst v3;
	v3 =	vld [tilespmem:$0x1FDE0];
	_ =	sdelay $0x4  }
0xe4: {  	vm0 =	vnez.u8 v3;
	v3 =	vld [tilespmem:$0x1FDF0];
	_ =	sdelay $0x3  }
0xe5: {  	v50 =	vimm.s32 $0x0  }
0xe6: {  	[tilespmem:$0x1FEA0] =	vst v4;
	v4 =	vsel vm14, $0xFFFFFFFF, v50;
	vm14 =	vnez.u8 v3;
	v3 =	vld [tilespmem:$0x1FE00]  }
0xe7: {  	v51 =	vld [tilespmem:$0x1FE10];
	_ =	sdelay $0x1  }
0xe8: {  	v52 =	vld [tilespmem:$0x1FE20];
	v2 =	vsel vm4, v49, v2;
	vm4 =	vgt.f32 v49, v1  }
0xe9: {  	v2 =	vsel vm4, v1, v2;
	v1 =	vsel vm4, v49, v1  }
0xea: {  	v1 =	vsub.f32 v2, v1;
	vm0 =	vmand vm0, vm14;
	vm14 =	vnez.u8 v3  }
0xeb: {  	v2 =	vsel vm0, $0x1, v0;
	v3 =	vsel vm14, $0x1, v0;
	vm14 =	vnez.u8 v51  }
0xec: {  	v1 =	vmul.f32 $1.442695020e+00, v1;
	v2 =	vsel vm14, $0x2, v2  }
0xed: {  	v2 =	vsel vm12, v3, v2;
	v3 =	vsel vm12, $0x2, v3;
	vm12 =	vnez.u8 v52  }
0xee: {  	v2 =	vsel vm12, $0x3, v2  }
0xef: {  	(erf) = vpow2.f32 v1;
	v1 =	vsel vm10, v3, v2;
	v2 =	vsel vm10, $0x3, v3;
	v3 =	vld [tilespmem:$0x1FE30];
	_ =	sdelay $0x4  }
0xf0: {  	vm14 =	vnez.u8 v3;
	v3 =	vld [tilespmem:$0x1FE40];
	_ =	sdelay $0x4  }
0xf1: {  	vm10 =	vnez.u8 v3;
	v3 =	vld [tilespmem:$0x1FE50];
	_ =	sdelay $0x4  }
0xf2: {  	v1 =	vsel vm14, $0x4, v1;
	vm12 =	vnez.u8 v3;
	v3 =	vld [tilespmem:$0x1FE60]  }
0xf3: {  	v1 =	vsel vm8, v2, v1  }
0xf4: {  	v53 =	vld [tilespmem:$0x1FE70];
	v2 =	vsel vm8, $0x4, v2;
	v1 =	vsel vm10, $0x5, v1  }
0xf5: {  	v1 =	vsel vm9, v2, v1  }
0xf6: {  	v55 =	vld [tilespmem:$0x1FE80];
	v2 =	vsel vm9, $0x5, v2;
	v1 =	vsel vm12, $0x6, v1  }
0xf7: {  	v1 =	vsel vm11, v2, v1;
	vm14 =	vnez.u8 v3  }
0xf8: {  	v56 =	vld [tilespmem:$0x1FE90];
	v2 =	vsel vm11, $0x6, v2;
	v1 =	vsel vm14, $0x7, v1  }
0xf9: {  	vm8 =	vnez.u8 v53;
	v3 =	vpop (erf);
	v1 =	vsel vm13, v2, v1  }
0xfa: {  	v57 =	vld [tilespmem:$0x1FEA0];
	v54 =	vadd.f32 $1.000000000e+00, v3;
	v2 =	vsel vm13, $0x7, v2;
	v1 =	vsel vm8, $0x8, v1  }
0xfb: {  	vm9 =	vnez.u8 v55;
	v1 =	vsel vm15, v2, v1  }
0xfc: {  	v58 =	vld [tilespmem:$0x1FEB0];
	(erf) = vrcp.f32 v54;
	v2 =	vsel vm15, $0x8, v2;
	v1 =	vsel vm9, $0x9, v1  }
0xfd: {  	[tilespmem:$0x1FEC0] =	vst v5;
	vm10 =	vnez.u8 v56;
	v1 =	vsel vm7, v2, v1  }
0xfe: {  	v59 =	vld [tilespmem:$0x1FEC0];
	v2 =	vsel vm7, $0x9, v2;
	v1 =	vsel vm10, $0xA, v1  }
0xff: {  	[tilespmem:$0x1FED0] =	vst v4;
	vm11 =	vnez.u8 v57;
	v1 =	vsel vm6, v2, v1  }
0x100: {  	v61 =	vld [tilespmem:$0x1FED0];
	v2 =	vsel vm6, $0xA, v2;
	v1 =	vsel vm11, $0xB, v1  }
0x101: {  	vm12 =	vnez.u8 v58;
	v1 =	vsel vm5, v2, v1  }
0x102: {  	v62 =	vld [tilespmem:$0x1FEE0];
	v2 =	vsel vm5, $0xB, v2;
	v1 =	vsel vm12, $0xC, v1  }
0x103: {  	vm13 =	vnez.u8 v59;
	v1 =	vsel vm2, v2, v1  }
0x104: {  	s14 =	sshll.u32 s14, $0x5;
	v2 =	vsel vm2, $0xC, v2;
	v1 =	vsel vm13, $0xD, v1  }
0x105: {  	s14 =	sand.u32 $0xFFFFFF00, s14;
	vm14 =	vnez.u8 v61;
	v60 =	vpop (erf);
	v1 =	vsel vm1, v2, v1  }
0x106: {  	s31 =	sor.u32 s15, s14;
	s13 =	sor.u32 s14, s13;
	v3 =	vmul.f32 v60, v3;
	v2 =	vsel vm1, $0xD, v2;
	v1 =	vsel vm14, $0xE, v1  }
0x107: {  	s13 =	sor.u32 $0x80, s13;
	vm15 =	vnez.u8 v62;
	[tilespmem:s31+$0x1000] =	vst v60;
	v1 =	vsel vm3, v2, v1;
	v2 =	vsel vm3, $0xE, v2  }
0x108: {  	[tilespmem:s13+$0x1000] =	vst v3;
	v1 =	vsel vm15, $0xF, v1;
	v63 =	vsel vm4, $0xF, v2  }
0x109: {  	v1 =	vsel vm4, v2, v1;
	[tilespmem:s31+$0x1200] =	vst v63  }
0x10a: {  	[tilespmem:s13+$0x1200] =	vst v1  }
0x10b: {  	[hbm4b:s4+s2] =	stream.linear.scatter [tilespmem:s10], [sflag:$0x1], $0x200, $0x38;
	[tilespmem:$0x1400] =	vst v63  }
0x10c: {  	s12 =	sadd.s32 $0x1, s12;
	_ =	swait.ge [sflag:s9], $0x200  }
0x10d: {  	p0 =	sne.s32 s12, s6;
	[sflag:s9] =	ssyncset.done $0x0  }
.Ltmp1:
0x10e: {  	[sflag:s9] =	ssyncadd.s32 $0xFFFFFE00;
	(pc) =	sbr.rel @p0 .LBB2_1-.Ltmp1, $4  }
0x10f: {  	[hbm4b:s5+s2] =	stream.linear.scatter [tilespmem:s11], [sflag:$0x1], $0x200, $0x38;
	[tilespmem:$0x1400] =	vst v63  }
0x110: {  	_ =	swait.ge [sflag:s9], $0x200  }
0x111: {  	[sflag:s9] =	ssyncset.done $0x0  }
0x112: {  	[sflag:s9] =	ssyncadd.s32 $0xFFFFFE00  }
0x113: {  	_ =	sfence.sel $0x180000  }
0x114: {  	[bflag:$0x0] =	sbarrier.arrive $0xFFFF  }
0x115: {  	p0 =	sne.s32 s1, $0x0;
	_ =	strace $0x90000047  }
0x116: {  	s0 =	sadd.s32 @!p0 $0x100000, s0;
	[bflag:$0x2] =	sbarrier.arrive $0xFFFF  }
0x117: {  	[sflag:s0] =	ssyncadd.tile.s32 @!p0 $0x1;
	_ =	shalt  }
.Lfunc_end2:
_tile_overlayer_lowered:
.L_overlay_start_2:
0x118: {  	(tag) =	ssettag $0x2  }
0x119: {  	s0 =	rddreg [dreg:$0x0];
	s2 =	stileid.u32  }
0x11a: {  	s1 =	rddreg [dreg:$0x1];
	p0 =	sne.s32 s2, $0x0  }
0x11b: {  	s3 =	rddreg [dreg:$0x2];
	[bflag:$0x3] =	sbarrier.arrive $0xFFFF;
	s2 =	simm.s32 @!p0 $0x1C01  }
0x11c: {  	[timem:s3], [sflag:s2] =	dma.local @!p0 [hbm:s0], s1  }
0x11d: {  	s0 =	simm.s32 @!p0 $0x1  }
0x11e: {  	_ =	swait.ge @!p0 [sflag:s0], s1  }
0x11f: {  	s1 =	ssub.s32 @!p0 $0x0, s1;
	[sflag:s0] =	ssyncset.done @!p0 $0x0  }
0x120: {  	[sflag:s0] =	ssyncadd.s32 @!p0 s1  }
0x121: {  	[bflag:$0x3] =	sbarrier.arrive $0xFFFF  }
0x122: {  	_ =	shalt  }

</sc_bundles>
